<compile_context>
chip_gen: v7x
topology: tpu7x:2x2x1
jax: 0.10.2.dev20260603
libtpu: 0.0.44.dev20260713+nightly
codegen_flags: <defaults>
</compile_context>

<pallas_src>
import functools

import jax
import jax.numpy as jnp
from jax import lax
from jax.experimental import pallas as pl
from jax.experimental.pallas import tpu as pltpu
from jax.experimental.pallas import tpu_sc as plsc

D = 64
NE = 1000000
NPAIR = NE // 2
W1 = 256
NBLK_MAIN = NE // W1
TAIL0 = NBLK_MAIN * W1
NTAIL = NE - TAIL0
NB = 16384
NT = 20
BT = 128
NU = NT * 4


@jax.jit
def _embedding_lookup(ids_t, table_t, tail_t):
    info = plsc.get_sparse_core_info()
    num_cores, num_subcores = info.num_cores, info.num_subcores
    nw = num_cores * num_subcores
    n_k = NBLK_MAIN // nw + 2
    mesh = plsc.VectorSubcoreMesh(core_axis_name="c", subcore_axis_name="s")

    @functools.partial(
        pl.kernel,
        mesh=mesh,
        out_type=jax.ShapeDtypeStruct((NT, 8, NB // BT, 8, BT), jnp.float32),
        scratch_types=[
            pltpu.HBM((NPAIR, 2 * D), jnp.float32),
            pltpu.VMEM((D, W1), jnp.float32),
            pltpu.VMEM((D, W1), jnp.float32),
            pltpu.VMEM((W1 // 2, 2 * D), jnp.float32),
            pltpu.VMEM((W1 // 2, 2 * D), jnp.float32),
            pltpu.VMEM((NT, 4 * BT), jnp.int32),
            pltpu.VMEM((BT,), jnp.int32),
            pltpu.VMEM((BT,), jnp.int32),
            pltpu.VMEM((BT, 2 * D), jnp.float32),
            pltpu.VMEM((BT, 2 * D), jnp.float32),
            pltpu.VMEM((8, 8, BT), jnp.float32),
            pltpu.VMEM((8, 8, BT), jnp.float32),
            pltpu.SemaphoreType.DMA,
            pltpu.SemaphoreType.DMA,
            pltpu.SemaphoreType.DMA,
            pltpu.SemaphoreType.DMA,
            pltpu.SemaphoreType.DMA,
            pltpu.SemaphoreType.DMA,
            pltpu.SemaphoreType.DMA,
            pltpu.SemaphoreType.DMA,
            pltpu.SemaphoreType.REGULAR,
        ],
        compiler_params=pltpu.CompilerParams(
            use_tc_tiling_on_sc=True, needs_layout_passes=False),
    )
    def emb(ids_hbm, table_hbm, tail_hbm, out_hbm, r_hbm,
            slab0, slab1, rowbuf0, rowbuf1, idxall, idxp0, idxp1,
            rows0, rows1, oslab0, oslab1,
            sr0, sr1, sw0, sw1, g0, g1, o0, o1, csem):
        cid = lax.axis_index("c")
        sid = lax.axis_index("s")
        wid = sid * num_cores + cid

        slabs = (slab0, slab1)
        rowbufs = (rowbuf0, rowbuf1)
        srs = (sr0, sr1)
        sws = (sw0, sw1)
        idxps = (idxp0, idxp1)
        rowss = (rows0, rows1)
        oslabs = (oslab0, oslab1)
        gs = (g0, g1)
        os_ = (o0, o1)

        iota = lax.iota(jnp.int32, 16)
        half = iota >> 1
        parity64 = (iota & 1) << 6
        def rot(d):
            return (iota + d) & 15

        def blk_of(k):
            return wid + k * nw

        def fire_read(k, p):
            i0 = pl.multiple_of(blk_of(k) * W1, W1)
            pltpu.async_copy(table_hbm.at[:, pl.ds(i0, W1)], slabs[p], srs[p])

        def wait_read(p):
            pltpu.make_async_copy(
                table_hbm.at[:, pl.ds(0, W1)], slabs[p], srs[p]).wait()

        def fire_write(k, p):
            r0 = pl.multiple_of(blk_of(k) * (W1 // 2), W1 // 2)
            pltpu.async_copy(
                rowbufs[p], r_hbm.at[pl.ds(r0, W1 // 2), :], sws[p])

        def wait_write(p):
            pltpu.make_async_copy(
                rowbufs[p], r_hbm.at[pl.ds(0, W1 // 2), :], sws[p]).wait()

        def xpose_block(p):
            slab, rowbuf = slabs[p], rowbufs[p]

            @plsc.parallel_loop(0, (W1 // 16) * D, unroll=8)
            def _(n):
                i16 = n >> 6
                ld_col = (i16 * 16) + iota
                st_row = (i16 * 8) + half
                q = ((iota + n) & 15) + (n & 48)
                v = plsc.load_gather(slab, [q, ld_col])
                plsc.store_scatter(rowbuf, [st_row, parity64 + q], v)

        @pl.when(blk_of(0) < NBLK_MAIN)
        def _():
            fire_read(0, 0)

        def p1_pair(i, carry):
            for p in range(2):
                k = i * 2 + p
                blk = blk_of(k)

                @pl.when(blk_of(k + 1) < NBLK_MAIN)
                def _():
                    fire_read(k + 1, 1 - p)

                @pl.when(blk < NBLK_MAIN)
                def _():
                    wait_read(p)

                    @pl.when(k >= 2)
                    def _():
                        wait_write(p)

                    xpose_block(p)
                    fire_write(k, p)

            return carry

        lax.fori_loop(0, n_k // 2, p1_pair, 0)
        wait_write(0)
        wait_write(1)

        @pl.when(wid == 0)
        def _tail():
            pltpu.sync_copy(tail_hbm, slab0.at[:, pl.ds(0, BT)])

            def tail_j(j, carry):
                colbase = parity64 + j
                for c0 in range(0, NTAIL, 16):
                    v = slab0[j, pl.ds(c0, 16)]
                    plsc.store_scatter(
                        rowbuf0, [(c0 >> 1) + half, colbase], v)
                return carry

            lax.fori_loop(0, D, tail_j, 0)
            pltpu.sync_copy(
                rowbuf0.at[pl.ds(0, NTAIL // 2), :],
                r_hbm.at[pl.ds(TAIL0 // 2, NTAIL // 2), :])

        plsc.subcore_barrier()
        pltpu.core_barrier(csem, core_axis_name="c")

        pltpu.sync_copy(ids_hbm.at[:, pl.ds(wid * (4 * BT), 4 * BT)], idxall)

        def prep_unit(u, p):
            t = u >> 2
            cbase = (u & 3) * BT

            def shift_blk(c, carry):
                idxps[p][pl.ds(c * 16, 16)] = (
                    idxall[t, pl.ds(cbase + c * 16, 16)] >> 1)
                return carry

            lax.fori_loop(0, BT // 16, shift_blk, 0)

        def fire_gather(p):
            pltpu.async_copy(r_hbm.at[idxps[p]], rowss[p], gs[p])

        def wait_gather(p):
            pltpu.make_async_copy(
                r_hbm.at[pl.ds(0, BT), :], rowss[p], gs[p]).wait()

        def fire_out(u, p):
            t = u >> 2
            tc = wid * 4 + (u & 3)
            pltpu.async_copy(oslabs[p], out_hbm.at[t, :, tc], os_[p])

        def wait_out(p):
            pltpu.make_async_copy(
                oslabs[p], out_hbm.at[0, :, 0], os_[p]).wait()

        def xpose_unit(u, p):
            t = u >> 2
            cbase = (u & 3) * BT
            rows, oslab = rowss[p], oslabs[p]

            def per_cb(ci, carry):
                cb0 = ci * 16
                hvec = (idxall[t, pl.ds(cbase + cb0, 16)] & 1) << 6
                ld_row = cb0 + iota

                @plsc.parallel_loop(0, D, unroll=8)
                def _(m):
                    q = ((iota + m) & 15) + (m & 48)
                    v = plsc.load_gather(rows, [ld_row, hvec + q])
                    plsc.store_scatter(oslab, [q >> 3, q & 7, ld_row], v)

                return carry

            lax.fori_loop(0, BT // 16, per_cb, 0)

        prep_unit(0, 0)
        fire_gather(0)

        def p2_pair(i, carry):
            for p in range(2):
                u = i * 2 + p
                wait_gather(p)

                @pl.when(u + 1 < NU)
                def _():
                    prep_unit(u + 1, 1 - p)
                    fire_gather(1 - p)

                @pl.when(u >= 2)
                def _():
                    wait_out(p)

                xpose_unit(u, p)
                fire_out(u, p)

            return carry

        lax.fori_loop(0, NU // 2, p2_pair, 0)
        wait_out(0)
        wait_out(1)

    return emb(ids_t, table_t, tail_t)


def kernel(token_ids, embedding_weights):
    ids_t = token_ids.T
    table_t = embedding_weights.T
    tail_t = jnp.pad(table_t[:, TAIL0:], ((0, 0), (0, 128 - NTAIL)))
    out5 = _embedding_lookup(ids_t, table_t, tail_t)
    out = out5.transpose(0, 1, 3, 2, 4).reshape(NT, D, NB)
    return jnp.transpose(out, (2, 0, 1))

# --- scband reference (transcript-rebuilt; emitter-appended) ---
"""Pipeline reference for scband-embedding-18605798326744 (READ-ONLY COPY).

The authoritative reference and input builder live on the scoring server;
editing this copy changes nothing except your own understanding.
"""

import jax, jax.numpy as jnp
import numpy as np

NUM_EMBEDDINGS = 1000000
EMBEDDING_DIM = 64

def setup_inputs(seed: int = 0) -> dict:
    key = jax.random.key(seed)
    k_idx, k_w = jax.random.split(key)
    token_ids = jax.random.randint(k_idx, (16384, 20), 0, NUM_EMBEDDINGS, dtype=jnp.int64 if jax.config.jax_enable_x64 else jnp.int32)
    embedding_weights = jax.random.normal(k_w, (NUM_EMBEDDINGS, EMBEDDING_DIM), dtype=jnp.float32) * 0.02
    return {"token_ids": token_ids, "embedding_weights": embedding_weights}

def reference(token_ids, embedding_weights):
    # Faithful translation of: return self.embedding_weights[token_ids]
    return jnp.take(embedding_weights, token_ids, axis=0)

if __name__ == "__main__":
    import jax
    _d = setup_inputs()
    print(jax.jit(kernel)(*tuple(_d.values())))

</pallas_src>

<mosaic_0001>
#map = affine_map<(d0, d1) -> (0, 0)>
#map1 = affine_map<(d0, d1) -> (0, 0, 0, 0, 0)>
module attributes {stable_mosaic.version = 14 : i64} {
  func.func @emb(%arg0: i32, %arg1: i32, %arg2: memref<20x16384xi32, #tpu.memory_space<hbm>>, %arg3: memref<64x1000000xf32, #tpu.memory_space<hbm>>, %arg4: memref<64x128xf32, #tpu.memory_space<hbm>>, %arg5: memref<20x8x128x8x128xf32, #tpu.memory_space<hbm>>, %arg6: memref<500000x128xf32, #tpu.memory_space<hbm>>, %arg7: memref<64x256xf32, #tpu.memory_space<vmem>>, %arg8: memref<64x256xf32, #tpu.memory_space<vmem>>, %arg9: memref<128x128xf32, #tpu.memory_space<vmem>>, %arg10: memref<128x128xf32, #tpu.memory_space<vmem>>, %arg11: memref<20x512xi32, #tpu.memory_space<vmem>>, %arg12: memref<128xi32, #tpu.memory_space<vmem>>, %arg13: memref<128xi32, #tpu.memory_space<vmem>>, %arg14: memref<128x128xf32, #tpu.memory_space<vmem>>, %arg15: memref<128x128xf32, #tpu.memory_space<vmem>>, %arg16: memref<8x8x128xf32, #tpu.memory_space<vmem>>, %arg17: memref<8x8x128xf32, #tpu.memory_space<vmem>>, %arg18: memref<!tpu.dma_semaphore, #tpu.memory_space<semaphore_mem>>, %arg19: memref<!tpu.dma_semaphore, #tpu.memory_space<semaphore_mem>>, %arg20: memref<!tpu.dma_semaphore, #tpu.memory_space<semaphore_mem>>, %arg21: memref<!tpu.dma_semaphore, #tpu.memory_space<semaphore_mem>>, %arg22: memref<!tpu.dma_semaphore, #tpu.memory_space<semaphore_mem>>, %arg23: memref<!tpu.dma_semaphore, #tpu.memory_space<semaphore_mem>>, %arg24: memref<!tpu.dma_semaphore, #tpu.memory_space<semaphore_mem>>, %arg25: memref<!tpu.dma_semaphore, #tpu.memory_space<semaphore_mem>>, %arg26: memref<!tpu.semaphore, #tpu.memory_space<semaphore_mem>>) attributes {dimension_semantics = [#tpu.dimension_semantics<core_parallel>, #tpu.dimension_semantics<subcore_parallel>], iteration_bounds = array<i64: 2, 16>, scalar_prefetch = 0 : i64, scratch_operands = 21 : i64, tpu.core_type = #tpu.core_type<sc_vector_subcore>, window_params = [{transform_indices = #map}, {transform_indices = #map}, {transform_indices = #map}, {transform_indices = #map1}]} {
    %mul3A = arith.constant 2 : i32
    %mul3A_0 = arith.muli %arg1, %mul3A : i32
    %add3A = arith.addi %mul3A_0, %arg0 : i32
    %iota3A = tpu.iota {dimensions = array<i32: 0>} : vector<16xi32>
    %shift_right_arithmetic3A = arith.constant 1 : i32
    %shift_right_arithmetic3A_1 = vector.broadcast %shift_right_arithmetic3A : i32 to vector<16xi32>
    %shift_right_arithmetic3A_2 = arith.shrsi %iota3A, %shift_right_arithmetic3A_1 : vector<16xi32>
    %and3A = arith.constant 1 : i32
    %and3A_3 = vector.broadcast %and3A : i32 to vector<16xi32>
    %and3A_4 = arith.andi %iota3A, %and3A_3 : vector<16xi32>
    %shift_left3A = arith.constant 6 : i32
    %shift_left3A_5 = vector.broadcast %shift_left3A : i32 to vector<16xi32>
    %shift_left3A_6 = arith.shli %and3A_4, %shift_left3A_5 : vector<16xi32>
    %add3A_7 = arith.constant 0 : i32
    %add3A_8 = arith.addi %add3A, %add3A_7 : i32
    %lt3A = arith.constant 3906 : i32
    %lt3A_9 = arith.cmpi slt, %add3A_8, %lt3A : i32
    %convert_element_type3A = arith.extui %lt3A_9 : i1 to i32
    %cond3A = arith.constant 0 : i32
    %cond3A_10 = arith.cmpi ne, %convert_element_type3A, %cond3A : i32
    scf.if %cond3A_10 {
      %add3A_81 = arith.constant 0 : i32
      %add3A_82 = arith.addi %add3A, %add3A_81 : i32
      %mul3A_83 = arith.constant 256 : i32
      %mul3A_84 = arith.muli %add3A_82, %mul3A_83 : i32
      %multiple_of3A = tpu.assume_multiple %mul3A_84, 256 : i32
      %dma_start3A_85 = arith.constant 0 : i32
      %dma_start3A_86 = tpu.memref_slice %arg3[%dma_start3A_85, %multiple_of3A] : memref<64x1000000xf32, #tpu.memory_space<hbm>> -> memref<64x256xf32, #tpu.memory_space<hbm>>
      %dma_start3A_87 = arith.constant 0 : i32
      %dma_start3A_88 = tpu.memref_slice %arg3[%dma_start3A_87, %multiple_of3A] : memref<64x1000000xf32, #tpu.memory_space<hbm>> -> memref<64x256xf32, #tpu.memory_space<hbm>>
      tpu.enqueue_dma source(%dma_start3A_88 : memref<64x256xf32, #tpu.memory_space<hbm>>) target(%arg7 : memref<64x256xf32, #tpu.memory_space<vmem>>) target_semaphore(%arg18 : memref<!tpu.dma_semaphore, #tpu.memory_space<semaphore_mem>>)
    } else {
    }
    %scan3A = arith.constant 0 : i32
    %scan3A_11 = arith.constant 0 : i32
    %scan3A_12 = arith.constant 62 : i32
    %scan3A_13 = arith.addi %scan3A_11, %scan3A_12 : i32
    %scan3A_14 = arith.constant 1 : i32
    scf.for %scan3A_81 = %scan3A_11 to %scan3A_13 step %scan3A_14  : i32 {
      %mul3A_82 = arith.constant 2 : i32
      %mul3A_83 = arith.muli %scan3A_81, %mul3A_82 : i32
      %add3A_84 = arith.constant 0 : i32
      %add3A_85 = arith.addi %mul3A_83, %add3A_84 : i32
      %mul3A_86 = arith.constant 32 : i32
      %mul3A_87 = arith.muli %add3A_85, %mul3A_86 : i32
      %add3A_88 = arith.addi %add3A, %mul3A_87 : i32
      %add3A_89 = arith.constant 1 : i32
      %add3A_90 = arith.addi %add3A_85, %add3A_89 : i32
      %mul3A_91 = arith.constant 32 : i32
      %mul3A_92 = arith.muli %add3A_90, %mul3A_91 : i32
      %add3A_93 = arith.addi %add3A, %mul3A_92 : i32
      %lt3A_94 = arith.constant 3906 : i32
      %lt3A_95 = arith.cmpi slt, %add3A_93, %lt3A_94 : i32
      %convert_element_type3A_96 = arith.extui %lt3A_95 : i1 to i32
      %cond3A_97 = arith.constant 0 : i32
      %cond3A_98 = arith.cmpi ne, %convert_element_type3A_96, %cond3A_97 : i32
      scf.if %cond3A_98 {
        %add3A_126 = arith.constant 1 : i32
        %add3A_127 = arith.addi %add3A_85, %add3A_126 : i32
        %mul3A_128 = arith.constant 32 : i32
        %mul3A_129 = arith.muli %add3A_127, %mul3A_128 : i32
        %add3A_130 = arith.addi %add3A, %mul3A_129 : i32
        %mul3A_131 = arith.constant 256 : i32
        %mul3A_132 = arith.muli %add3A_130, %mul3A_131 : i32
        %multiple_of3A = tpu.assume_multiple %mul3A_132, 256 : i32
        %dma_start3A_133 = arith.constant 0 : i32
        %dma_start3A_134 = tpu.memref_slice %arg3[%dma_start3A_133, %multiple_of3A] : memref<64x1000000xf32, #tpu.memory_space<hbm>> -> memref<64x256xf32, #tpu.memory_space<hbm>>
        %dma_start3A_135 = arith.constant 0 : i32
        %dma_start3A_136 = tpu.memref_slice %arg3[%dma_start3A_135, %multiple_of3A] : memref<64x1000000xf32, #tpu.memory_space<hbm>> -> memref<64x256xf32, #tpu.memory_space<hbm>>
        tpu.enqueue_dma source(%dma_start3A_136 : memref<64x256xf32, #tpu.memory_space<hbm>>) target(%arg8 : memref<64x256xf32, #tpu.memory_space<vmem>>) target_semaphore(%arg19 : memref<!tpu.dma_semaphore, #tpu.memory_space<semaphore_mem>>)
      } else {
      }
      %lt3A_99 = arith.constant 3906 : i32
      %lt3A_100 = arith.cmpi slt, %add3A_88, %lt3A_99 : i32
      %convert_element_type3A_101 = arith.extui %lt3A_100 : i1 to i32
      %cond3A_102 = arith.constant 0 : i32
      %cond3A_103 = arith.cmpi ne, %convert_element_type3A_101, %cond3A_102 : i32
      scf.if %cond3A_103 {
        %dma_wait3A_126 = arith.constant 0 : i32
        %dma_wait3A_127 = arith.constant 0 : i32
        %dma_wait3A_128 = tpu.memref_slice %arg3[%dma_wait3A_126, %dma_wait3A_127] : memref<64x1000000xf32, #tpu.memory_space<hbm>> -> memref<64x256xf32, #tpu.memory_space<hbm>>
        %dma_wait3A_129 = arith.constant 0 : i32
        %dma_wait3A_130 = arith.constant 0 : i32
        %dma_wait3A_131 = tpu.memref_slice %arg3[%dma_wait3A_129, %dma_wait3A_130] : memref<64x1000000xf32, #tpu.memory_space<hbm>> -> memref<64x256xf32, #tpu.memory_space<hbm>>
        tpu.wait_dma2 semaphore(%arg18 : memref<!tpu.dma_semaphore, #tpu.memory_space<semaphore_mem>>) src(%dma_wait3A_131 : memref<64x256xf32, #tpu.memory_space<hbm>>) dst(%arg7 : memref<64x256xf32, #tpu.memory_space<vmem>>)
        %ge3A = arith.constant 2 : i32
        %ge3A_132 = arith.cmpi sge, %add3A_85, %ge3A : i32
        %convert_element_type3A_133 = arith.extui %ge3A_132 : i1 to i32
        %cond3A_134 = arith.constant 0 : i32
        %cond3A_135 = arith.cmpi ne, %convert_element_type3A_133, %cond3A_134 : i32
        scf.if %cond3A_135 {
          %dma_wait3A_147 = arith.constant 0 : i32
          %dma_wait3A_148 = arith.constant 0 : i32
          %dma_wait3A_149 = tpu.memref_slice %arg6[%dma_wait3A_147, %dma_wait3A_148] : memref<500000x128xf32, #tpu.memory_space<hbm>> -> memref<128x128xf32, #tpu.memory_space<hbm>>
          %dma_wait3A_150 = arith.constant 0 : i32
          %dma_wait3A_151 = arith.constant 0 : i32
          %dma_wait3A_152 = tpu.memref_slice %arg6[%dma_wait3A_150, %dma_wait3A_151] : memref<500000x128xf32, #tpu.memory_space<hbm>> -> memref<128x128xf32, #tpu.memory_space<hbm>>
          tpu.wait_dma2 semaphore(%arg20 : memref<!tpu.dma_semaphore, #tpu.memory_space<semaphore_mem>>) src(%arg9 : memref<128x128xf32, #tpu.memory_space<vmem>>) dst(%dma_wait3A_152 : memref<128x128xf32, #tpu.memory_space<hbm>>)
        } else {
        }
        %parallel_loop3A = arith.constant 0 : i32
        %parallel_loop3A_136 = arith.constant 1024 : i32
        %parallel_loop3A_137 = arith.constant 1 : i32
        scf.for %parallel_loop3A_147 = %parallel_loop3A to %parallel_loop3A_136 step %parallel_loop3A_137  : i32 {
          %parallel_loop3A_148 = arith.constant 6 : i32
          %parallel_loop3A_149 = arith.shrsi %parallel_loop3A_147, %parallel_loop3A_148 : i32
          %parallel_loop3A_150 = arith.constant 16 : i32
          %parallel_loop3A_151 = arith.muli %parallel_loop3A_149, %parallel_loop3A_150 : i32
          %parallel_loop3A_152 = vector.broadcast %parallel_loop3A_151 : i32 to vector<16xi32>
          %parallel_loop3A_153 = arith.addi %parallel_loop3A_152, %iota3A : vector<16xi32>
          %parallel_loop3A_154 = arith.constant 8 : i32
          %parallel_loop3A_155 = arith.muli %parallel_loop3A_149, %parallel_loop3A_154 : i32
          %parallel_loop3A_156 = vector.broadcast %parallel_loop3A_155 : i32 to vector<16xi32>
          %parallel_loop3A_157 = arith.addi %parallel_loop3A_156, %shift_right_arithmetic3A_2 : vector<16xi32>
          %parallel_loop3A_158 = vector.broadcast %parallel_loop3A_147 : i32 to vector<16xi32>
          %parallel_loop3A_159 = arith.addi %iota3A, %parallel_loop3A_158 : vector<16xi32>
          %parallel_loop3A_160 = arith.constant 15 : i32
          %parallel_loop3A_161 = vector.broadcast %parallel_loop3A_160 : i32 to vector<16xi32>
          %parallel_loop3A_162 = arith.andi %parallel_loop3A_159, %parallel_loop3A_161 : vector<16xi32>
          %parallel_loop3A_163 = arith.constant 48 : i32
          %parallel_loop3A_164 = arith.andi %parallel_loop3A_147, %parallel_loop3A_163 : i32
          %parallel_loop3A_165 = vector.broadcast %parallel_loop3A_164 : i32 to vector<16xi32>
          %parallel_loop3A_166 = arith.addi %parallel_loop3A_162, %parallel_loop3A_165 : vector<16xi32>
          %parallel_loop3A_167 = tpu.vector_load_idx %arg7[%parallel_loop3A_166, %parallel_loop3A_153] : memref<64x256xf32, #tpu.memory_space<vmem>>[vector<16xi32>, vector<16xi32>], vector<16xf32>,
          %parallel_loop3A_168 = arith.addi %shift_left3A_6, %parallel_loop3A_166 : vector<16xi32>
          tpu.vector_store_idx %arg9[%parallel_loop3A_157, %parallel_loop3A_168], %parallel_loop3A_167 : memref<128x128xf32, #tpu.memory_space<vmem>>[vector<16xi32>, vector<16xi32>], vector<16xf32>,
        } {sc.loop_unroll_factor = 8 : i64, sc.parallel_access}
        %mul3A_138 = arith.constant 32 : i32
        %mul3A_139 = arith.muli %add3A_85, %mul3A_138 : i32
        %add3A_140 = arith.addi %add3A, %mul3A_139 : i32
        %mul3A_141 = arith.constant 128 : i32
        %mul3A_142 = arith.muli %add3A_140, %mul3A_141 : i32
        %multiple_of3A = tpu.assume_multiple %mul3A_142, 128 : i32
        %dma_start3A_143 = arith.constant 0 : i32
        %dma_start3A_144 = tpu.memref_slice %arg6[%multiple_of3A, %dma_start3A_143] : memref<500000x128xf32, #tpu.memory_space<hbm>> -> memref<128x128xf32, #tpu.memory_space<hbm>>
        %dma_start3A_145 = arith.constant 0 : i32
        %dma_start3A_146 = tpu.memref_slice %arg6[%multiple_of3A, %dma_start3A_145] : memref<500000x128xf32, #tpu.memory_space<hbm>> -> memref<128x128xf32, #tpu.memory_space<hbm>>
        tpu.enqueue_dma source(%arg9 : memref<128x128xf32, #tpu.memory_space<vmem>>) target(%dma_start3A_146 : memref<128x128xf32, #tpu.memory_space<hbm>>) target_semaphore(%arg20 : memref<!tpu.dma_semaphore, #tpu.memory_space<semaphore_mem>>)
      } else {
      }
      %mul3A_104 = arith.constant 2 : i32
      %mul3A_105 = arith.muli %scan3A_81, %mul3A_104 : i32
      %add3A_106 = arith.constant 1 : i32
      %add3A_107 = arith.addi %mul3A_105, %add3A_106 : i32
      %mul3A_108 = arith.constant 32 : i32
      %mul3A_109 = arith.muli %add3A_107, %mul3A_108 : i32
      %add3A_110 = arith.addi %add3A, %mul3A_109 : i32
      %add3A_111 = arith.constant 1 : i32
      %add3A_112 = arith.addi %add3A_107, %add3A_111 : i32
      %mul3A_113 = arith.constant 32 : i32
      %mul3A_114 = arith.muli %add3A_112, %mul3A_113 : i32
      %add3A_115 = arith.addi %add3A, %mul3A_114 : i32
      %lt3A_116 = arith.constant 3906 : i32
      %lt3A_117 = arith.cmpi slt, %add3A_115, %lt3A_116 : i32
      %convert_element_type3A_118 = arith.extui %lt3A_117 : i1 to i32
      %cond3A_119 = arith.constant 0 : i32
      %cond3A_120 = arith.cmpi ne, %convert_element_type3A_118, %cond3A_119 : i32
      scf.if %cond3A_120 {
        %add3A_126 = arith.constant 1 : i32
        %add3A_127 = arith.addi %add3A_107, %add3A_126 : i32
        %mul3A_128 = arith.constant 32 : i32
        %mul3A_129 = arith.muli %add3A_127, %mul3A_128 : i32
        %add3A_130 = arith.addi %add3A, %mul3A_129 : i32
        %mul3A_131 = arith.constant 256 : i32
        %mul3A_132 = arith.muli %add3A_130, %mul3A_131 : i32
        %multiple_of3A = tpu.assume_multiple %mul3A_132, 256 : i32
        %dma_start3A_133 = arith.constant 0 : i32
        %dma_start3A_134 = tpu.memref_slice %arg3[%dma_start3A_133, %multiple_of3A] : memref<64x1000000xf32, #tpu.memory_space<hbm>> -> memref<64x256xf32, #tpu.memory_space<hbm>>
        %dma_start3A_135 = arith.constant 0 : i32
        %dma_start3A_136 = tpu.memref_slice %arg3[%dma_start3A_135, %multiple_of3A] : memref<64x1000000xf32, #tpu.memory_space<hbm>> -> memref<64x256xf32, #tpu.memory_space<hbm>>
        tpu.enqueue_dma source(%dma_start3A_136 : memref<64x256xf32, #tpu.memory_space<hbm>>) target(%arg7 : memref<64x256xf32, #tpu.memory_space<vmem>>) target_semaphore(%arg18 : memref<!tpu.dma_semaphore, #tpu.memory_space<semaphore_mem>>)
      } else {
      }
      %lt3A_121 = arith.constant 3906 : i32
      %lt3A_122 = arith.cmpi slt, %add3A_110, %lt3A_121 : i32
      %convert_element_type3A_123 = arith.extui %lt3A_122 : i1 to i32
      %cond3A_124 = arith.constant 0 : i32
      %cond3A_125 = arith.cmpi ne, %convert_element_type3A_123, %cond3A_124 : i32
      scf.if %cond3A_125 {
        %dma_wait3A_126 = arith.constant 0 : i32
        %dma_wait3A_127 = arith.constant 0 : i32
        %dma_wait3A_128 = tpu.memref_slice %arg3[%dma_wait3A_126, %dma_wait3A_127] : memref<64x1000000xf32, #tpu.memory_space<hbm>> -> memref<64x256xf32, #tpu.memory_space<hbm>>
        %dma_wait3A_129 = arith.constant 0 : i32
        %dma_wait3A_130 = arith.constant 0 : i32
        %dma_wait3A_131 = tpu.memref_slice %arg3[%dma_wait3A_129, %dma_wait3A_130] : memref<64x1000000xf32, #tpu.memory_space<hbm>> -> memref<64x256xf32, #tpu.memory_space<hbm>>
        tpu.wait_dma2 semaphore(%arg19 : memref<!tpu.dma_semaphore, #tpu.memory_space<semaphore_mem>>) src(%dma_wait3A_131 : memref<64x256xf32, #tpu.memory_space<hbm>>) dst(%arg8 : memref<64x256xf32, #tpu.memory_space<vmem>>)
        %ge3A = arith.constant 2 : i32
        %ge3A_132 = arith.cmpi sge, %add3A_107, %ge3A : i32
        %convert_element_type3A_133 = arith.extui %ge3A_132 : i1 to i32
        %cond3A_134 = arith.constant 0 : i32
        %cond3A_135 = arith.cmpi ne, %convert_element_type3A_133, %cond3A_134 : i32
        scf.if %cond3A_135 {
          %dma_wait3A_147 = arith.constant 0 : i32
          %dma_wait3A_148 = arith.constant 0 : i32
          %dma_wait3A_149 = tpu.memref_slice %arg6[%dma_wait3A_147, %dma_wait3A_148] : memref<500000x128xf32, #tpu.memory_space<hbm>> -> memref<128x128xf32, #tpu.memory_space<hbm>>
          %dma_wait3A_150 = arith.constant 0 : i32
          %dma_wait3A_151 = arith.constant 0 : i32
          %dma_wait3A_152 = tpu.memref_slice %arg6[%dma_wait3A_150, %dma_wait3A_151] : memref<500000x128xf32, #tpu.memory_space<hbm>> -> memref<128x128xf32, #tpu.memory_space<hbm>>
          tpu.wait_dma2 semaphore(%arg21 : memref<!tpu.dma_semaphore, #tpu.memory_space<semaphore_mem>>) src(%arg10 : memref<128x128xf32, #tpu.memory_space<vmem>>) dst(%dma_wait3A_152 : memref<128x128xf32, #tpu.memory_space<hbm>>)
        } else {
        }
        %parallel_loop3A = arith.constant 0 : i32
        %parallel_loop3A_136 = arith.constant 1024 : i32
        %parallel_loop3A_137 = arith.constant 1 : i32
        scf.for %parallel_loop3A_147 = %parallel_loop3A to %parallel_loop3A_136 step %parallel_loop3A_137  : i32 {
          %parallel_loop3A_148 = arith.constant 6 : i32
          %parallel_loop3A_149 = arith.shrsi %parallel_loop3A_147, %parallel_loop3A_148 : i32
          %parallel_loop3A_150 = arith.constant 16 : i32
          %parallel_loop3A_151 = arith.muli %parallel_loop3A_149, %parallel_loop3A_150 : i32
          %parallel_loop3A_152 = vector.broadcast %parallel_loop3A_151 : i32 to vector<16xi32>
          %parallel_loop3A_153 = arith.addi %parallel_loop3A_152, %iota3A : vector<16xi32>
          %parallel_loop3A_154 = arith.constant 8 : i32
          %parallel_loop3A_155 = arith.muli %parallel_loop3A_149, %parallel_loop3A_154 : i32
          %parallel_loop3A_156 = vector.broadcast %parallel_loop3A_155 : i32 to vector<16xi32>
          %parallel_loop3A_157 = arith.addi %parallel_loop3A_156, %shift_right_arithmetic3A_2 : vector<16xi32>
          %parallel_loop3A_158 = vector.broadcast %parallel_loop3A_147 : i32 to vector<16xi32>
          %parallel_loop3A_159 = arith.addi %iota3A, %parallel_loop3A_158 : vector<16xi32>
          %parallel_loop3A_160 = arith.constant 15 : i32
          %parallel_loop3A_161 = vector.broadcast %parallel_loop3A_160 : i32 to vector<16xi32>
          %parallel_loop3A_162 = arith.andi %parallel_loop3A_159, %parallel_loop3A_161 : vector<16xi32>
          %parallel_loop3A_163 = arith.constant 48 : i32
          %parallel_loop3A_164 = arith.andi %parallel_loop3A_147, %parallel_loop3A_163 : i32
          %parallel_loop3A_165 = vector.broadcast %parallel_loop3A_164 : i32 to vector<16xi32>
          %parallel_loop3A_166 = arith.addi %parallel_loop3A_162, %parallel_loop3A_165 : vector<16xi32>
          %parallel_loop3A_167 = tpu.vector_load_idx %arg8[%parallel_loop3A_166, %parallel_loop3A_153] : memref<64x256xf32, #tpu.memory_space<vmem>>[vector<16xi32>, vector<16xi32>], vector<16xf32>,
          %parallel_loop3A_168 = arith.addi %shift_left3A_6, %parallel_loop3A_166 : vector<16xi32>
          tpu.vector_store_idx %arg10[%parallel_loop3A_157, %parallel_loop3A_168], %parallel_loop3A_167 : memref<128x128xf32, #tpu.memory_space<vmem>>[vector<16xi32>, vector<16xi32>], vector<16xf32>,
        } {sc.loop_unroll_factor = 8 : i64, sc.parallel_access}
        %mul3A_138 = arith.constant 32 : i32
        %mul3A_139 = arith.muli %add3A_107, %mul3A_138 : i32
        %add3A_140 = arith.addi %add3A, %mul3A_139 : i32
        %mul3A_141 = arith.constant 128 : i32
        %mul3A_142 = arith.muli %add3A_140, %mul3A_141 : i32
        %multiple_of3A = tpu.assume_multiple %mul3A_142, 128 : i32
        %dma_start3A_143 = arith.constant 0 : i32
        %dma_start3A_144 = tpu.memref_slice %arg6[%multiple_of3A, %dma_start3A_143] : memref<500000x128xf32, #tpu.memory_space<hbm>> -> memref<128x128xf32, #tpu.memory_space<hbm>>
        %dma_start3A_145 = arith.constant 0 : i32
        %dma_start3A_146 = tpu.memref_slice %arg6[%multiple_of3A, %dma_start3A_145] : memref<500000x128xf32, #tpu.memory_space<hbm>> -> memref<128x128xf32, #tpu.memory_space<hbm>>
        tpu.enqueue_dma source(%arg10 : memref<128x128xf32, #tpu.memory_space<vmem>>) target(%dma_start3A_146 : memref<128x128xf32, #tpu.memory_space<hbm>>) target_semaphore(%arg21 : memref<!tpu.dma_semaphore, #tpu.memory_space<semaphore_mem>>)
      } else {
      }
    }
    %scan3A_15 = arith.constant 62 : i32
    %dma_wait3A = arith.constant 0 : i32
    %dma_wait3A_16 = arith.constant 0 : i32
    %dma_wait3A_17 = tpu.memref_slice %arg6[%dma_wait3A, %dma_wait3A_16] : memref<500000x128xf32, #tpu.memory_space<hbm>> -> memref<128x128xf32, #tpu.memory_space<hbm>>
    %dma_wait3A_18 = arith.constant 0 : i32
    %dma_wait3A_19 = arith.constant 0 : i32
    %dma_wait3A_20 = tpu.memref_slice %arg6[%dma_wait3A_18, %dma_wait3A_19] : memref<500000x128xf32, #tpu.memory_space<hbm>> -> memref<128x128xf32, #tpu.memory_space<hbm>>
    tpu.wait_dma2 semaphore(%arg20 : memref<!tpu.dma_semaphore, #tpu.memory_space<semaphore_mem>>) src(%arg9 : memref<128x128xf32, #tpu.memory_space<vmem>>) dst(%dma_wait3A_20 : memref<128x128xf32, #tpu.memory_space<hbm>>)
    %dma_wait3A_21 = arith.constant 0 : i32
    %dma_wait3A_22 = arith.constant 0 : i32
    %dma_wait3A_23 = tpu.memref_slice %arg6[%dma_wait3A_21, %dma_wait3A_22] : memref<500000x128xf32, #tpu.memory_space<hbm>> -> memref<128x128xf32, #tpu.memory_space<hbm>>
    %dma_wait3A_24 = arith.constant 0 : i32
    %dma_wait3A_25 = arith.constant 0 : i32
    %dma_wait3A_26 = tpu.memref_slice %arg6[%dma_wait3A_24, %dma_wait3A_25] : memref<500000x128xf32, #tpu.memory_space<hbm>> -> memref<128x128xf32, #tpu.memory_space<hbm>>
    tpu.wait_dma2 semaphore(%arg21 : memref<!tpu.dma_semaphore, #tpu.memory_space<semaphore_mem>>) src(%arg10 : memref<128x128xf32, #tpu.memory_space<vmem>>) dst(%dma_wait3A_26 : memref<128x128xf32, #tpu.memory_space<hbm>>)
    %eq3A = arith.constant 0 : i32
    %eq3A_27 = arith.cmpi eq, %add3A, %eq3A : i32
    %convert_element_type3A_28 = arith.extui %eq3A_27 : i1 to i32
    %cond3A_29 = arith.constant 0 : i32
    %cond3A_30 = arith.cmpi ne, %convert_element_type3A_28, %cond3A_29 : i32
    scf.if %cond3A_30 {
      "tpu.region"() ({
        %run_scoped3A = tpu.sem_alloc : memref<!tpu.dma_semaphore, #tpu.memory_space<semaphore_mem>>
        %dma_start3A_87 = arith.constant 0 : i32
        %dma_start3A_88 = arith.constant 0 : i32
        %dma_start3A_89 = tpu.memref_slice %arg7[%dma_start3A_87, %dma_start3A_88] : memref<64x256xf32, #tpu.memory_space<vmem>> -> memref<64x128xf32, #tpu.memory_space<vmem>>
        %dma_start3A_90 = arith.constant 0 : i32
        %dma_start3A_91 = arith.constant 0 : i32
        %dma_start3A_92 = tpu.memref_slice %arg7[%dma_start3A_90, %dma_start3A_91] : memref<64x256xf32, #tpu.memory_space<vmem>> -> memref<64x128xf32, #tpu.memory_space<vmem>>
        tpu.enqueue_dma source(%arg4 : memref<64x128xf32, #tpu.memory_space<hbm>>) target(%dma_start3A_92 : memref<64x128xf32, #tpu.memory_space<vmem>>) target_semaphore(%run_scoped3A : memref<!tpu.dma_semaphore, #tpu.memory_space<semaphore_mem>>)
        %dma_wait3A_93 = arith.constant 0 : i32
        %dma_wait3A_94 = arith.constant 0 : i32
        %dma_wait3A_95 = tpu.memref_slice %arg7[%dma_wait3A_93, %dma_wait3A_94] : memref<64x256xf32, #tpu.memory_space<vmem>> -> memref<64x128xf32, #tpu.memory_space<vmem>>
        %dma_wait3A_96 = arith.constant 0 : i32
        %dma_wait3A_97 = arith.constant 0 : i32
        %dma_wait3A_98 = tpu.memref_slice %arg7[%dma_wait3A_96, %dma_wait3A_97] : memref<64x256xf32, #tpu.memory_space<vmem>> -> memref<64x128xf32, #tpu.memory_space<vmem>>
        tpu.wait_dma2 semaphore(%run_scoped3A : memref<!tpu.dma_semaphore, #tpu.memory_space<semaphore_mem>>) src(%arg4 : memref<64x128xf32, #tpu.memory_space<hbm>>) dst(%dma_wait3A_98 : memref<64x128xf32, #tpu.memory_space<vmem>>)
        tpu.yield
      }) : () -> ()
      %scan3A_81 = arith.constant 0 : i32
      %scan3A_82 = arith.constant 0 : i32
      %scan3A_83 = arith.constant 64 : i32
      %scan3A_84 = arith.addi %scan3A_82, %scan3A_83 : i32
      %scan3A_85 = arith.constant 1 : i32
      scf.for %scan3A_87 = %scan3A_82 to %scan3A_84 step %scan3A_85  : i32 {
        %add3A_88 = vector.broadcast %scan3A_87 : i32 to vector<16xi32>
        %add3A_89 = arith.addi %shift_left3A_6, %add3A_88 : vector<16xi32>
        %get3A = arith.index_cast %scan3A_87 : i32 to index
        %get3A_90 = arith.constant 0 : index
        %get3A_91 = tpu.vector_load %arg7[%get3A, %get3A_90] {strides = array<i32>} : memref<64x256xf32, #tpu.memory_space<vmem>>, vector<16xf32>,
        %add3A_92 = arith.constant 0 : i32
        %add3A_93 = vector.broadcast %add3A_92 : i32 to vector<16xi32>
        %add3A_94 = arith.addi %add3A_93, %shift_right_arithmetic3A_2 : vector<16xi32>
        tpu.vector_store_idx %arg9[%add3A_94, %add3A_89], %get3A_91 : memref<128x128xf32, #tpu.memory_space<vmem>>[vector<16xi32>, vector<16xi32>], vector<16xf32>,
        %get3A_95 = arith.index_cast %scan3A_87 : i32 to index
        %get3A_96 = arith.constant 16 : index
        %get3A_97 = tpu.vector_load %arg7[%get3A_95, %get3A_96] {strides = array<i32>} : memref<64x256xf32, #tpu.memory_space<vmem>>, vector<16xf32>,
        %add3A_98 = arith.constant 8 : i32
        %add3A_99 = vector.broadcast %add3A_98 : i32 to vector<16xi32>
        %add3A_100 = arith.addi %add3A_99, %shift_right_arithmetic3A_2 : vector<16xi32>
        tpu.vector_store_idx %arg9[%add3A_100, %add3A_89], %get3A_97 : memref<128x128xf32, #tpu.memory_space<vmem>>[vector<16xi32>, vector<16xi32>], vector<16xf32>,
        %get3A_101 = arith.index_cast %scan3A_87 : i32 to index
        %get3A_102 = arith.constant 32 : index
        %get3A_103 = tpu.vector_load %arg7[%get3A_101, %get3A_102] {strides = array<i32>} : memref<64x256xf32, #tpu.memory_space<vmem>>, vector<16xf32>,
        %add3A_104 = arith.constant 16 : i32
        %add3A_105 = vector.broadcast %add3A_104 : i32 to vector<16xi32>
        %add3A_106 = arith.addi %add3A_105, %shift_right_arithmetic3A_2 : vector<16xi32>
        tpu.vector_store_idx %arg9[%add3A_106, %add3A_89], %get3A_103 : memref<128x128xf32, #tpu.memory_space<vmem>>[vector<16xi32>, vector<16xi32>], vector<16xf32>,
        %get3A_107 = arith.index_cast %scan3A_87 : i32 to index
        %get3A_108 = arith.constant 48 : index
        %get3A_109 = tpu.vector_load %arg7[%get3A_107, %get3A_108] {strides = array<i32>} : memref<64x256xf32, #tpu.memory_space<vmem>>, vector<16xf32>,
        %add3A_110 = arith.constant 24 : i32
        %add3A_111 = vector.broadcast %add3A_110 : i32 to vector<16xi32>
        %add3A_112 = arith.addi %add3A_111, %shift_right_arithmetic3A_2 : vector<16xi32>
        tpu.vector_store_idx %arg9[%add3A_112, %add3A_89], %get3A_109 : memref<128x128xf32, #tpu.memory_space<vmem>>[vector<16xi32>, vector<16xi32>], vector<16xf32>,
      }
      %scan3A_86 = arith.constant 64 : i32
      "tpu.region"() ({
        %run_scoped3A = tpu.sem_alloc : memref<!tpu.dma_semaphore, #tpu.memory_space<semaphore_mem>>
        %dma_start3A_87 = arith.constant 0 : i32
        %dma_start3A_88 = arith.constant 0 : i32
        %dma_start3A_89 = tpu.memref_slice %arg9[%dma_start3A_87, %dma_start3A_88] : memref<128x128xf32, #tpu.memory_space<vmem>> -> memref<32x128xf32, #tpu.memory_space<vmem>>
        %dma_start3A_90 = arith.constant 499968 : i32
        %dma_start3A_91 = arith.constant 0 : i32
        %dma_start3A_92 = tpu.memref_slice %arg6[%dma_start3A_90, %dma_start3A_91] : memref<500000x128xf32, #tpu.memory_space<hbm>> -> memref<32x128xf32, #tpu.memory_space<hbm>>
        %dma_start3A_93 = arith.constant 499968 : i32
        %dma_start3A_94 = arith.constant 0 : i32
        %dma_start3A_95 = tpu.memref_slice %arg6[%dma_start3A_93, %dma_start3A_94] : memref<500000x128xf32, #tpu.memory_space<hbm>> -> memref<32x128xf32, #tpu.memory_space<hbm>>
        %dma_start3A_96 = arith.constant 0 : i32
        %dma_start3A_97 = arith.constant 0 : i32
        %dma_start3A_98 = tpu.memref_slice %arg9[%dma_start3A_96, %dma_start3A_97] : memref<128x128xf32, #tpu.memory_space<vmem>> -> memref<32x128xf32, #tpu.memory_space<vmem>>
        tpu.enqueue_dma source(%dma_start3A_98 : memref<32x128xf32, #tpu.memory_space<vmem>>) target(%dma_start3A_95 : memref<32x128xf32, #tpu.memory_space<hbm>>) target_semaphore(%run_scoped3A : memref<!tpu.dma_semaphore, #tpu.memory_space<semaphore_mem>>)
        %dma_wait3A_99 = arith.constant 0 : i32
        %dma_wait3A_100 = arith.constant 0 : i32
        %dma_wait3A_101 = tpu.memref_slice %arg9[%dma_wait3A_99, %dma_wait3A_100] : memref<128x128xf32, #tpu.memory_space<vmem>> -> memref<32x128xf32, #tpu.memory_space<vmem>>
        %dma_wait3A_102 = arith.constant 499968 : i32
        %dma_wait3A_103 = arith.constant 0 : i32
        %dma_wait3A_104 = tpu.memref_slice %arg6[%dma_wait3A_102, %dma_wait3A_103] : memref<500000x128xf32, #tpu.memory_space<hbm>> -> memref<32x128xf32, #tpu.memory_space<hbm>>
        %dma_wait3A_105 = arith.constant 499968 : i32
        %dma_wait3A_106 = arith.constant 0 : i32
        %dma_wait3A_107 = tpu.memref_slice %arg6[%dma_wait3A_105, %dma_wait3A_106] : memref<500000x128xf32, #tpu.memory_space<hbm>> -> memref<32x128xf32, #tpu.memory_space<hbm>>
        %dma_wait3A_108 = arith.constant 0 : i32
        %dma_wait3A_109 = arith.constant 0 : i32
        %dma_wait3A_110 = tpu.memref_slice %arg9[%dma_wait3A_108, %dma_wait3A_109] : memref<128x128xf32, #tpu.memory_space<vmem>> -> memref<32x128xf32, #tpu.memory_space<vmem>>
        tpu.wait_dma2 semaphore(%run_scoped3A : memref<!tpu.dma_semaphore, #tpu.memory_space<semaphore_mem>>) src(%dma_wait3A_110 : memref<32x128xf32, #tpu.memory_space<vmem>>) dst(%dma_wait3A_107 : memref<32x128xf32, #tpu.memory_space<hbm>>)
        tpu.yield
      }) : () -> ()
    } else {
    }
    %barrier3A = arith.constant 0 : index
    tpu.barrier barrier_id(%barrier3A)
    %ne3A = arith.constant 0 : i32
    "tpu.trace_start"() <{level = 10 : i32, message = "sync_cores"}> : () -> ()
    %ne3A_31 = arith.cmpi ne, %arg0, %ne3A : i32
    %convert_element_type3A_32 = arith.extui %ne3A_31 : i1 to i32
    %cond3A_33 = arith.constant 0 : i32
    %cond3A_34 = arith.cmpi ne, %convert_element_type3A_32, %cond3A_33 : i32
    scf.if %cond3A_34 {
      %semaphore_signal3A = arith.constant 1 : i32
      %semaphore_signal3A_81 = arith.constant 0 : i32
      tpu.sem_signal %arg26, %semaphore_signal3A core_id %semaphore_signal3A_81 : memref<!tpu.semaphore, #tpu.memory_space<semaphore_mem>>
    } else {
    }
    %ne3A_35 = arith.constant 1 : i32
    %ne3A_36 = arith.cmpi ne, %arg0, %ne3A_35 : i32
    %convert_element_type3A_37 = arith.extui %ne3A_36 : i1 to i32
    %cond3A_38 = arith.constant 0 : i32
    %cond3A_39 = arith.cmpi ne, %convert_element_type3A_37, %cond3A_38 : i32
    scf.if %cond3A_39 {
      %semaphore_signal3A = arith.constant 1 : i32
      %semaphore_signal3A_81 = arith.constant 1 : i32
      tpu.sem_signal %arg26, %semaphore_signal3A core_id %semaphore_signal3A_81 : memref<!tpu.semaphore, #tpu.memory_space<semaphore_mem>>
    } else {
    }
    %semaphore_wait3A = arith.constant 1 : i32
    %semaphore_wait3A_40 = arith.constant true
    tpu.sem_wait %arg26, %semaphore_wait3A : memref<!tpu.semaphore, #tpu.memory_space<semaphore_mem>>
    "tpu.trace_stop"() : () -> ()
    %mul3A_41 = arith.constant 512 : i32
    %mul3A_42 = arith.muli %add3A, %mul3A_41 : i32
    "tpu.region"() ({
      %run_scoped3A = tpu.sem_alloc : memref<!tpu.dma_semaphore, #tpu.memory_space<semaphore_mem>>
      %dma_start3A_81 = arith.constant 0 : i32
      %dma_start3A_82 = tpu.memref_slice %arg2[%dma_start3A_81, %mul3A_42] : memref<20x16384xi32, #tpu.memory_space<hbm>> -> memref<20x512xi32, #tpu.memory_space<hbm>>
      %dma_start3A_83 = arith.constant 0 : i32
      %dma_start3A_84 = tpu.memref_slice %arg2[%dma_start3A_83, %mul3A_42] : memref<20x16384xi32, #tpu.memory_space<hbm>> -> memref<20x512xi32, #tpu.memory_space<hbm>>
      tpu.enqueue_dma source(%dma_start3A_84 : memref<20x512xi32, #tpu.memory_space<hbm>>) target(%arg11 : memref<20x512xi32, #tpu.memory_space<vmem>>) target_semaphore(%run_scoped3A : memref<!tpu.dma_semaphore, #tpu.memory_space<semaphore_mem>>)
      %dma_wait3A_85 = arith.constant 0 : i32
      %dma_wait3A_86 = tpu.memref_slice %arg2[%dma_wait3A_85, %mul3A_42] : memref<20x16384xi32, #tpu.memory_space<hbm>> -> memref<20x512xi32, #tpu.memory_space<hbm>>
      %dma_wait3A_87 = arith.constant 0 : i32
      %dma_wait3A_88 = tpu.memref_slice %arg2[%dma_wait3A_87, %mul3A_42] : memref<20x16384xi32, #tpu.memory_space<hbm>> -> memref<20x512xi32, #tpu.memory_space<hbm>>
      tpu.wait_dma2 semaphore(%run_scoped3A : memref<!tpu.dma_semaphore, #tpu.memory_space<semaphore_mem>>) src(%dma_wait3A_88 : memref<20x512xi32, #tpu.memory_space<hbm>>) dst(%arg11 : memref<20x512xi32, #tpu.memory_space<vmem>>)
      tpu.yield
    }) : () -> ()
    %scan3A_43 = arith.constant 0 : i32
    %scan3A_44 = arith.constant 0 : i32
    %scan3A_45 = arith.constant 8 : i32
    %scan3A_46 = arith.addi %scan3A_44, %scan3A_45 : i32
    %scan3A_47 = arith.constant 1 : i32
    scf.for %scan3A_81 = %scan3A_44 to %scan3A_46 step %scan3A_47  : i32 {
      %mul3A_82 = arith.constant 16 : i32
      %mul3A_83 = arith.muli %scan3A_81, %mul3A_82 : i32
      %add3A_84 = arith.constant 0 : i32
      %add3A_85 = arith.addi %add3A_84, %mul3A_83 : i32
      %get3A = arith.constant 0 : i32
      %get3A_86 = arith.index_cast %get3A : i32 to index
      %get3A_87 = arith.index_cast %add3A_85 : i32 to index
      %get3A_88 = tpu.vector_load %arg11[%get3A_86, %get3A_87] {strides = array<i32>} : memref<20x512xi32, #tpu.memory_space<vmem>>, vector<16xi32>,
      %shift_right_arithmetic3A_89 = arith.constant 1 : i32
      %shift_right_arithmetic3A_90 = vector.broadcast %shift_right_arithmetic3A_89 : i32 to vector<16xi32>
      %shift_right_arithmetic3A_91 = arith.shrsi %get3A_88, %shift_right_arithmetic3A_90 : vector<16xi32>
      %mul3A_92 = arith.constant 16 : i32
      %mul3A_93 = arith.muli %scan3A_81, %mul3A_92 : i32
      %swap3A = arith.index_cast %mul3A_93 : i32 to index
      %swap3A_94 = tpu.vector_load %arg12[%swap3A] {strides = array<i32>} : memref<128xi32, #tpu.memory_space<vmem>>, vector<16xi32>,
      tpu.vector_store %arg12[%swap3A], %shift_right_arithmetic3A_91 {strides = array<i32>} : memref<128xi32, #tpu.memory_space<vmem>>, vector<16xi32>,
    }
    %scan3A_48 = arith.constant 8 : i32
    %dma_start3A = arith.constant 0 : i32
    %dma_start3A_49 = arith.constant 0 : i32
    %dma_start3A_50 = tpu.memref_slice %arg6[%dma_start3A, %dma_start3A_49] : memref<500000x128xf32, #tpu.memory_space<hbm>> -> memref<500000x128xf32, #tpu.memory_space<hbm>>
    tpu.enqueue_indirect_dma source(%dma_start3A_50 : memref<500000x128xf32, #tpu.memory_space<hbm>>) target(%arg14 : memref<128x128xf32, #tpu.memory_space<vmem>>) offsets(%arg12 : memref<128xi32, #tpu.memory_space<vmem>>) semaphore(%arg22 : memref<!tpu.dma_semaphore, #tpu.memory_space<semaphore_mem>>)
    %scan3A_51 = arith.constant 0 : i32
    %scan3A_52 = arith.constant 0 : i32
    %scan3A_53 = arith.constant 40 : i32
    %scan3A_54 = arith.addi %scan3A_52, %scan3A_53 : i32
    %scan3A_55 = arith.constant 1 : i32
    scf.for %scan3A_81 = %scan3A_52 to %scan3A_54 step %scan3A_55  : i32 {
      %mul3A_82 = arith.constant 2 : i32
      %mul3A_83 = arith.muli %scan3A_81, %mul3A_82 : i32
      %add3A_84 = arith.constant 0 : i32
      %add3A_85 = arith.addi %mul3A_83, %add3A_84 : i32
      %dma_wait3A_86 = arith.constant 0 : i32
      %dma_wait3A_87 = arith.constant 0 : i32
      %dma_wait3A_88 = tpu.memref_slice %arg6[%dma_wait3A_86, %dma_wait3A_87] : memref<500000x128xf32, #tpu.memory_space<hbm>> -> memref<128x128xf32, #tpu.memory_space<hbm>>
      %dma_wait3A_89 = arith.constant 0 : i32
      %dma_wait3A_90 = arith.constant 0 : i32
      %dma_wait3A_91 = tpu.memref_slice %arg6[%dma_wait3A_89, %dma_wait3A_90] : memref<500000x128xf32, #tpu.memory_space<hbm>> -> memref<128x128xf32, #tpu.memory_space<hbm>>
      tpu.wait_dma2 semaphore(%arg22 : memref<!tpu.dma_semaphore, #tpu.memory_space<semaphore_mem>>) src(%dma_wait3A_91 : memref<128x128xf32, #tpu.memory_space<hbm>>) dst(%arg14 : memref<128x128xf32, #tpu.memory_space<vmem>>)
      %add3A_92 = arith.constant 1 : i32
      %add3A_93 = arith.addi %add3A_85, %add3A_92 : i32
      %lt3A_94 = arith.constant 80 : i32
      %lt3A_95 = arith.cmpi slt, %add3A_93, %lt3A_94 : i32
      %convert_element_type3A_96 = arith.extui %lt3A_95 : i1 to i32
      %cond3A_97 = arith.constant 0 : i32
      %cond3A_98 = arith.cmpi ne, %convert_element_type3A_96, %cond3A_97 : i32
      scf.if %cond3A_98 {
        %add3A_183 = arith.constant 1 : i32
        %add3A_184 = arith.addi %add3A_85, %add3A_183 : i32
        %shift_right_arithmetic3A_185 = arith.constant 2 : i32
        %shift_right_arithmetic3A_186 = arith.shrsi %add3A_184, %shift_right_arithmetic3A_185 : i32
        %and3A_187 = arith.constant 3 : i32
        %and3A_188 = arith.andi %add3A_184, %and3A_187 : i32
        %mul3A_189 = arith.constant 128 : i32
        %mul3A_190 = arith.muli %and3A_188, %mul3A_189 : i32
        %scan3A_191 = arith.constant 0 : i32
        %scan3A_192 = arith.constant 0 : i32
        %scan3A_193 = arith.constant 8 : i32
        %scan3A_194 = arith.addi %scan3A_192, %scan3A_193 : i32
        %scan3A_195 = arith.constant 1 : i32
        scf.for %scan3A_200 = %scan3A_192 to %scan3A_194 step %scan3A_195  : i32 {
          %mul3A_201 = arith.constant 16 : i32
          %mul3A_202 = arith.muli %scan3A_200, %mul3A_201 : i32
          %add3A_203 = arith.addi %mul3A_190, %mul3A_202 : i32
          %get3A = arith.index_cast %shift_right_arithmetic3A_186 : i32 to index
          %get3A_204 = arith.index_cast %add3A_203 : i32 to index
          %get3A_205 = tpu.vector_load %arg11[%get3A, %get3A_204] {strides = array<i32>} : memref<20x512xi32, #tpu.memory_space<vmem>>, vector<16xi32>,
          %shift_right_arithmetic3A_206 = arith.constant 1 : i32
          %shift_right_arithmetic3A_207 = vector.broadcast %shift_right_arithmetic3A_206 : i32 to vector<16xi32>
          %shift_right_arithmetic3A_208 = arith.shrsi %get3A_205, %shift_right_arithmetic3A_207 : vector<16xi32>
          %mul3A_209 = arith.constant 16 : i32
          %mul3A_210 = arith.muli %scan3A_200, %mul3A_209 : i32
          %swap3A = arith.index_cast %mul3A_210 : i32 to index
          %swap3A_211 = tpu.vector_load %arg13[%swap3A] {strides = array<i32>} : memref<128xi32, #tpu.memory_space<vmem>>, vector<16xi32>,
          tpu.vector_store %arg13[%swap3A], %shift_right_arithmetic3A_208 {strides = array<i32>} : memref<128xi32, #tpu.memory_space<vmem>>, vector<16xi32>,
        }
        %scan3A_196 = arith.constant 8 : i32
        %dma_start3A_197 = arith.constant 0 : i32
        %dma_start3A_198 = arith.constant 0 : i32
        %dma_start3A_199 = tpu.memref_slice %arg6[%dma_start3A_197, %dma_start3A_198] : memref<500000x128xf32, #tpu.memory_space<hbm>> -> memref<500000x128xf32, #tpu.memory_space<hbm>>
        tpu.enqueue_indirect_dma source(%dma_start3A_199 : memref<500000x128xf32, #tpu.memory_space<hbm>>) target(%arg15 : memref<128x128xf32, #tpu.memory_space<vmem>>) offsets(%arg13 : memref<128xi32, #tpu.memory_space<vmem>>) semaphore(%arg23 : memref<!tpu.dma_semaphore, #tpu.memory_space<semaphore_mem>>)
      } else {
      }
      %ge3A = arith.constant 2 : i32
      %ge3A_99 = arith.cmpi sge, %add3A_85, %ge3A : i32
      %convert_element_type3A_100 = arith.extui %ge3A_99 : i1 to i32
      %cond3A_101 = arith.constant 0 : i32
      %cond3A_102 = arith.cmpi ne, %convert_element_type3A_100, %cond3A_101 : i32
      scf.if %cond3A_102 {
        %dma_wait3A_183 = arith.constant 0 : i32
        %dma_wait3A_184 = arith.constant 0 : i32
        %dma_wait3A_185 = arith.constant 0 : i32
        %dma_wait3A_186 = arith.constant 0 : i32
        %dma_wait3A_187 = arith.constant 0 : i32
        %dma_wait3A_188 = tpu.memref_slice %arg5[%dma_wait3A_183, %dma_wait3A_185, %dma_wait3A_184, %dma_wait3A_186, %dma_wait3A_187] : memref<20x8x128x8x128xf32, #tpu.memory_space<hbm>> -> memref<1x8x1x8x128xf32, #tpu.memory_space<hbm>>
        %dma_wait3A_189 = tpu.memref_squeeze %dma_wait3A_188 : memref<1x8x1x8x128xf32, #tpu.memory_space<hbm>> -> memref<8x8x128xf32, #tpu.memory_space<hbm>>
        %dma_wait3A_190 = arith.constant 0 : i32
        %dma_wait3A_191 = arith.constant 0 : i32
        %dma_wait3A_192 = arith.constant 0 : i32
        %dma_wait3A_193 = tpu.memref_slice %arg5[%dma_wait3A_183, %dma_wait3A_190, %dma_wait3A_184, %dma_wait3A_191, %dma_wait3A_192] : memref<20x8x128x8x128xf32, #tpu.memory_space<hbm>> -> memref<1x8x1x8x128xf32, #tpu.memory_space<hbm>>
        %dma_wait3A_194 = tpu.memref_squeeze %dma_wait3A_193 : memref<1x8x1x8x128xf32, #tpu.memory_space<hbm>> -> memref<8x8x128xf32, #tpu.memory_space<hbm>>
        tpu.wait_dma2 semaphore(%arg24 : memref<!tpu.dma_semaphore, #tpu.memory_space<semaphore_mem>>) src(%arg16 : memref<8x8x128xf32, #tpu.memory_space<vmem>>) dst(%dma_wait3A_194 : memref<8x8x128xf32, #tpu.memory_space<hbm>>)
      } else {
      }
      %shift_right_arithmetic3A_103 = arith.constant 2 : i32
      %shift_right_arithmetic3A_104 = arith.shrsi %add3A_85, %shift_right_arithmetic3A_103 : i32
      %and3A_105 = arith.constant 3 : i32
      %and3A_106 = arith.andi %add3A_85, %and3A_105 : i32
      %mul3A_107 = arith.constant 128 : i32
      %mul3A_108 = arith.muli %and3A_106, %mul3A_107 : i32
      %scan3A_109 = arith.constant 0 : i32
      %scan3A_110 = arith.constant 0 : i32
      %scan3A_111 = arith.constant 8 : i32
      %scan3A_112 = arith.addi %scan3A_110, %scan3A_111 : i32
      %scan3A_113 = arith.constant 1 : i32
      scf.for %scan3A_183 = %scan3A_110 to %scan3A_112 step %scan3A_113  : i32 {
        %mul3A_184 = arith.constant 16 : i32
        %mul3A_185 = arith.muli %scan3A_183, %mul3A_184 : i32
        %add3A_186 = arith.addi %mul3A_108, %mul3A_185 : i32
        %get3A = arith.index_cast %shift_right_arithmetic3A_104 : i32 to index
        %get3A_187 = arith.index_cast %add3A_186 : i32 to index
        %get3A_188 = tpu.vector_load %arg11[%get3A, %get3A_187] {strides = array<i32>} : memref<20x512xi32, #tpu.memory_space<vmem>>, vector<16xi32>,
        %and3A_189 = arith.constant 1 : i32
        %and3A_190 = vector.broadcast %and3A_189 : i32 to vector<16xi32>
        %and3A_191 = arith.andi %get3A_188, %and3A_190 : vector<16xi32>
        %shift_left3A_192 = arith.constant 6 : i32
        %shift_left3A_193 = vector.broadcast %shift_left3A_192 : i32 to vector<16xi32>
        %shift_left3A_194 = arith.shli %and3A_191, %shift_left3A_193 : vector<16xi32>
        %add3A_195 = vector.broadcast %mul3A_185 : i32 to vector<16xi32>
        %add3A_196 = arith.addi %add3A_195, %iota3A : vector<16xi32>
        %parallel_loop3A = arith.constant 0 : i32
        %parallel_loop3A_197 = arith.constant 64 : i32
        %parallel_loop3A_198 = arith.constant 1 : i32
        scf.for %parallel_loop3A_199 = %parallel_loop3A to %parallel_loop3A_197 step %parallel_loop3A_198  : i32 {
          %parallel_loop3A_200 = vector.broadcast %parallel_loop3A_199 : i32 to vector<16xi32>
          %parallel_loop3A_201 = arith.addi %iota3A, %parallel_loop3A_200 : vector<16xi32>
          %parallel_loop3A_202 = arith.constant 15 : i32
          %parallel_loop3A_203 = vector.broadcast %parallel_loop3A_202 : i32 to vector<16xi32>
          %parallel_loop3A_204 = arith.andi %parallel_loop3A_201, %parallel_loop3A_203 : vector<16xi32>
          %parallel_loop3A_205 = arith.constant 48 : i32
          %parallel_loop3A_206 = arith.andi %parallel_loop3A_199, %parallel_loop3A_205 : i32
          %parallel_loop3A_207 = vector.broadcast %parallel_loop3A_206 : i32 to vector<16xi32>
          %parallel_loop3A_208 = arith.addi %parallel_loop3A_204, %parallel_loop3A_207 : vector<16xi32>
          %parallel_loop3A_209 = arith.addi %shift_left3A_194, %parallel_loop3A_208 : vector<16xi32>
          %parallel_loop3A_210 = tpu.vector_load_idx %arg14[%add3A_196, %parallel_loop3A_209] : memref<128x128xf32, #tpu.memory_space<vmem>>[vector<16xi32>, vector<16xi32>], vector<16xf32>,
          %parallel_loop3A_211 = arith.constant 3 : i32
          %parallel_loop3A_212 = vector.broadcast %parallel_loop3A_211 : i32 to vector<16xi32>
          %parallel_loop3A_213 = arith.shrsi %parallel_loop3A_208, %parallel_loop3A_212 : vector<16xi32>
          %parallel_loop3A_214 = arith.constant 7 : i32
          %parallel_loop3A_215 = vector.broadcast %parallel_loop3A_214 : i32 to vector<16xi32>
          %parallel_loop3A_216 = arith.andi %parallel_loop3A_208, %parallel_loop3A_215 : vector<16xi32>
          tpu.vector_store_idx %arg16[%parallel_loop3A_213, %parallel_loop3A_216, %add3A_196], %parallel_loop3A_210 : memref<8x8x128xf32, #tpu.memory_space<vmem>>[vector<16xi32>, vector<16xi32>, vector<16xi32>], vector<16xf32>,
        } {sc.loop_unroll_factor = 8 : i64, sc.parallel_access}
      }
      %scan3A_114 = arith.constant 8 : i32
      %shift_right_arithmetic3A_115 = arith.constant 2 : i32
      %shift_right_arithmetic3A_116 = arith.shrsi %add3A_85, %shift_right_arithmetic3A_115 : i32
      %mul3A_117 = arith.constant 4 : i32
      %mul3A_118 = arith.muli %add3A, %mul3A_117 : i32
      %and3A_119 = arith.constant 3 : i32
      %and3A_120 = arith.andi %add3A_85, %and3A_119 : i32
      %add3A_121 = arith.addi %mul3A_118, %and3A_120 : i32
      %dma_start3A_122 = arith.constant 0 : i32
      %dma_start3A_123 = arith.constant 0 : i32
      %dma_start3A_124 = arith.constant 0 : i32
      %dma_start3A_125 = tpu.memref_slice %arg5[%shift_right_arithmetic3A_116, %dma_start3A_122, %add3A_121, %dma_start3A_123, %dma_start3A_124] : memref<20x8x128x8x128xf32, #tpu.memory_space<hbm>> -> memref<1x8x1x8x128xf32, #tpu.memory_space<hbm>>
      %dma_start3A_126 = tpu.memref_squeeze %dma_start3A_125 : memref<1x8x1x8x128xf32, #tpu.memory_space<hbm>> -> memref<8x8x128xf32, #tpu.memory_space<hbm>>
      %dma_start3A_127 = arith.constant 0 : i32
      %dma_start3A_128 = arith.constant 0 : i32
      %dma_start3A_129 = arith.constant 0 : i32
      %dma_start3A_130 = tpu.memref_slice %arg5[%shift_right_arithmetic3A_116, %dma_start3A_127, %add3A_121, %dma_start3A_128, %dma_start3A_129] : memref<20x8x128x8x128xf32, #tpu.memory_space<hbm>> -> memref<1x8x1x8x128xf32, #tpu.memory_space<hbm>>
      %dma_start3A_131 = tpu.memref_squeeze %dma_start3A_130 : memref<1x8x1x8x128xf32, #tpu.memory_space<hbm>> -> memref<8x8x128xf32, #tpu.memory_space<hbm>>
      tpu.enqueue_dma source(%arg16 : memref<8x8x128xf32, #tpu.memory_space<vmem>>) target(%dma_start3A_131 : memref<8x8x128xf32, #tpu.memory_space<hbm>>) target_semaphore(%arg24 : memref<!tpu.dma_semaphore, #tpu.memory_space<semaphore_mem>>)
      %mul3A_132 = arith.constant 2 : i32
      %mul3A_133 = arith.muli %scan3A_81, %mul3A_132 : i32
      %add3A_134 = arith.constant 1 : i32
      %add3A_135 = arith.addi %mul3A_133, %add3A_134 : i32
      %dma_wait3A_136 = arith.constant 0 : i32
      %dma_wait3A_137 = arith.constant 0 : i32
      %dma_wait3A_138 = tpu.memref_slice %arg6[%dma_wait3A_136, %dma_wait3A_137] : memref<500000x128xf32, #tpu.memory_space<hbm>> -> memref<128x128xf32, #tpu.memory_space<hbm>>
      %dma_wait3A_139 = arith.constant 0 : i32
      %dma_wait3A_140 = arith.constant 0 : i32
      %dma_wait3A_141 = tpu.memref_slice %arg6[%dma_wait3A_139, %dma_wait3A_140] : memref<500000x128xf32, #tpu.memory_space<hbm>> -> memref<128x128xf32, #tpu.memory_space<hbm>>
      tpu.wait_dma2 semaphore(%arg23 : memref<!tpu.dma_semaphore, #tpu.memory_space<semaphore_mem>>) src(%dma_wait3A_141 : memref<128x128xf32, #tpu.memory_space<hbm>>) dst(%arg15 : memref<128x128xf32, #tpu.memory_space<vmem>>)
      %add3A_142 = arith.constant 1 : i32
      %add3A_143 = arith.addi %add3A_135, %add3A_142 : i32
      %lt3A_144 = arith.constant 80 : i32
      %lt3A_145 = arith.cmpi slt, %add3A_143, %lt3A_144 : i32
      %convert_element_type3A_146 = arith.extui %lt3A_145 : i1 to i32
      %cond3A_147 = arith.constant 0 : i32
      %cond3A_148 = arith.cmpi ne, %convert_element_type3A_146, %cond3A_147 : i32
      scf.if %cond3A_148 {
        %add3A_183 = arith.constant 1 : i32
        %add3A_184 = arith.addi %add3A_135, %add3A_183 : i32
        %shift_right_arithmetic3A_185 = arith.constant 2 : i32
        %shift_right_arithmetic3A_186 = arith.shrsi %add3A_184, %shift_right_arithmetic3A_185 : i32
        %and3A_187 = arith.constant 3 : i32
        %and3A_188 = arith.andi %add3A_184, %and3A_187 : i32
        %mul3A_189 = arith.constant 128 : i32
        %mul3A_190 = arith.muli %and3A_188, %mul3A_189 : i32
        %scan3A_191 = arith.constant 0 : i32
        %scan3A_192 = arith.constant 0 : i32
        %scan3A_193 = arith.constant 8 : i32
        %scan3A_194 = arith.addi %scan3A_192, %scan3A_193 : i32
        %scan3A_195 = arith.constant 1 : i32
        scf.for %scan3A_200 = %scan3A_192 to %scan3A_194 step %scan3A_195  : i32 {
          %mul3A_201 = arith.constant 16 : i32
          %mul3A_202 = arith.muli %scan3A_200, %mul3A_201 : i32
          %add3A_203 = arith.addi %mul3A_190, %mul3A_202 : i32
          %get3A = arith.index_cast %shift_right_arithmetic3A_186 : i32 to index
          %get3A_204 = arith.index_cast %add3A_203 : i32 to index
          %get3A_205 = tpu.vector_load %arg11[%get3A, %get3A_204] {strides = array<i32>} : memref<20x512xi32, #tpu.memory_space<vmem>>, vector<16xi32>,
          %shift_right_arithmetic3A_206 = arith.constant 1 : i32
          %shift_right_arithmetic3A_207 = vector.broadcast %shift_right_arithmetic3A_206 : i32 to vector<16xi32>
          %shift_right_arithmetic3A_208 = arith.shrsi %get3A_205, %shift_right_arithmetic3A_207 : vector<16xi32>
          %mul3A_209 = arith.constant 16 : i32
          %mul3A_210 = arith.muli %scan3A_200, %mul3A_209 : i32
          %swap3A = arith.index_cast %mul3A_210 : i32 to index
          %swap3A_211 = tpu.vector_load %arg12[%swap3A] {strides = array<i32>} : memref<128xi32, #tpu.memory_space<vmem>>, vector<16xi32>,
          tpu.vector_store %arg12[%swap3A], %shift_right_arithmetic3A_208 {strides = array<i32>} : memref<128xi32, #tpu.memory_space<vmem>>, vector<16xi32>,
        }
        %scan3A_196 = arith.constant 8 : i32
        %dma_start3A_197 = arith.constant 0 : i32
        %dma_start3A_198 = arith.constant 0 : i32
        %dma_start3A_199 = tpu.memref_slice %arg6[%dma_start3A_197, %dma_start3A_198] : memref<500000x128xf32, #tpu.memory_space<hbm>> -> memref<500000x128xf32, #tpu.memory_space<hbm>>
        tpu.enqueue_indirect_dma source(%dma_start3A_199 : memref<500000x128xf32, #tpu.memory_space<hbm>>) target(%arg14 : memref<128x128xf32, #tpu.memory_space<vmem>>) offsets(%arg12 : memref<128xi32, #tpu.memory_space<vmem>>) semaphore(%arg22 : memref<!tpu.dma_semaphore, #tpu.memory_space<semaphore_mem>>)
      } else {
      }
      %ge3A_149 = arith.constant 2 : i32
      %ge3A_150 = arith.cmpi sge, %add3A_135, %ge3A_149 : i32
      %convert_element_type3A_151 = arith.extui %ge3A_150 : i1 to i32
      %cond3A_152 = arith.constant 0 : i32
      %cond3A_153 = arith.cmpi ne, %convert_element_type3A_151, %cond3A_152 : i32
      scf.if %cond3A_153 {
        %dma_wait3A_183 = arith.constant 0 : i32
        %dma_wait3A_184 = arith.constant 0 : i32
        %dma_wait3A_185 = arith.constant 0 : i32
        %dma_wait3A_186 = arith.constant 0 : i32
        %dma_wait3A_187 = arith.constant 0 : i32
        %dma_wait3A_188 = tpu.memref_slice %arg5[%dma_wait3A_183, %dma_wait3A_185, %dma_wait3A_184, %dma_wait3A_186, %dma_wait3A_187] : memref<20x8x128x8x128xf32, #tpu.memory_space<hbm>> -> memref<1x8x1x8x128xf32, #tpu.memory_space<hbm>>
        %dma_wait3A_189 = tpu.memref_squeeze %dma_wait3A_188 : memref<1x8x1x8x128xf32, #tpu.memory_space<hbm>> -> memref<8x8x128xf32, #tpu.memory_space<hbm>>
        %dma_wait3A_190 = arith.constant 0 : i32
        %dma_wait3A_191 = arith.constant 0 : i32
        %dma_wait3A_192 = arith.constant 0 : i32
        %dma_wait3A_193 = tpu.memref_slice %arg5[%dma_wait3A_183, %dma_wait3A_190, %dma_wait3A_184, %dma_wait3A_191, %dma_wait3A_192] : memref<20x8x128x8x128xf32, #tpu.memory_space<hbm>> -> memref<1x8x1x8x128xf32, #tpu.memory_space<hbm>>
        %dma_wait3A_194 = tpu.memref_squeeze %dma_wait3A_193 : memref<1x8x1x8x128xf32, #tpu.memory_space<hbm>> -> memref<8x8x128xf32, #tpu.memory_space<hbm>>
        tpu.wait_dma2 semaphore(%arg25 : memref<!tpu.dma_semaphore, #tpu.memory_space<semaphore_mem>>) src(%arg17 : memref<8x8x128xf32, #tpu.memory_space<vmem>>) dst(%dma_wait3A_194 : memref<8x8x128xf32, #tpu.memory_space<hbm>>)
      } else {
      }
      %shift_right_arithmetic3A_154 = arith.constant 2 : i32
      %shift_right_arithmetic3A_155 = arith.shrsi %add3A_135, %shift_right_arithmetic3A_154 : i32
      %and3A_156 = arith.constant 3 : i32
      %and3A_157 = arith.andi %add3A_135, %and3A_156 : i32
      %mul3A_158 = arith.constant 128 : i32
      %mul3A_159 = arith.muli %and3A_157, %mul3A_158 : i32
      %scan3A_160 = arith.constant 0 : i32
      %scan3A_161 = arith.constant 0 : i32
      %scan3A_162 = arith.constant 8 : i32
      %scan3A_163 = arith.addi %scan3A_161, %scan3A_162 : i32
      %scan3A_164 = arith.constant 1 : i32
      scf.for %scan3A_183 = %scan3A_161 to %scan3A_163 step %scan3A_164  : i32 {
        %mul3A_184 = arith.constant 16 : i32
        %mul3A_185 = arith.muli %scan3A_183, %mul3A_184 : i32
        %add3A_186 = arith.addi %mul3A_159, %mul3A_185 : i32
        %get3A = arith.index_cast %shift_right_arithmetic3A_155 : i32 to index
        %get3A_187 = arith.index_cast %add3A_186 : i32 to index
        %get3A_188 = tpu.vector_load %arg11[%get3A, %get3A_187] {strides = array<i32>} : memref<20x512xi32, #tpu.memory_space<vmem>>, vector<16xi32>,
        %and3A_189 = arith.constant 1 : i32
        %and3A_190 = vector.broadcast %and3A_189 : i32 to vector<16xi32>
        %and3A_191 = arith.andi %get3A_188, %and3A_190 : vector<16xi32>
        %shift_left3A_192 = arith.constant 6 : i32
        %shift_left3A_193 = vector.broadcast %shift_left3A_192 : i32 to vector<16xi32>
        %shift_left3A_194 = arith.shli %and3A_191, %shift_left3A_193 : vector<16xi32>
        %add3A_195 = vector.broadcast %mul3A_185 : i32 to vector<16xi32>
        %add3A_196 = arith.addi %add3A_195, %iota3A : vector<16xi32>
        %parallel_loop3A = arith.constant 0 : i32
        %parallel_loop3A_197 = arith.constant 64 : i32
        %parallel_loop3A_198 = arith.constant 1 : i32
        scf.for %parallel_loop3A_199 = %parallel_loop3A to %parallel_loop3A_197 step %parallel_loop3A_198  : i32 {
          %parallel_loop3A_200 = vector.broadcast %parallel_loop3A_199 : i32 to vector<16xi32>
          %parallel_loop3A_201 = arith.addi %iota3A, %parallel_loop3A_200 : vector<16xi32>
          %parallel_loop3A_202 = arith.constant 15 : i32
          %parallel_loop3A_203 = vector.broadcast %parallel_loop3A_202 : i32 to vector<16xi32>
          %parallel_loop3A_204 = arith.andi %parallel_loop3A_201, %parallel_loop3A_203 : vector<16xi32>
          %parallel_loop3A_205 = arith.constant 48 : i32
          %parallel_loop3A_206 = arith.andi %parallel_loop3A_199, %parallel_loop3A_205 : i32
          %parallel_loop3A_207 = vector.broadcast %parallel_loop3A_206 : i32 to vector<16xi32>
          %parallel_loop3A_208 = arith.addi %parallel_loop3A_204, %parallel_loop3A_207 : vector<16xi32>
          %parallel_loop3A_209 = arith.addi %shift_left3A_194, %parallel_loop3A_208 : vector<16xi32>
          %parallel_loop3A_210 = tpu.vector_load_idx %arg15[%add3A_196, %parallel_loop3A_209] : memref<128x128xf32, #tpu.memory_space<vmem>>[vector<16xi32>, vector<16xi32>], vector<16xf32>,
          %parallel_loop3A_211 = arith.constant 3 : i32
          %parallel_loop3A_212 = vector.broadcast %parallel_loop3A_211 : i32 to vector<16xi32>
          %parallel_loop3A_213 = arith.shrsi %parallel_loop3A_208, %parallel_loop3A_212 : vector<16xi32>
          %parallel_loop3A_214 = arith.constant 7 : i32
          %parallel_loop3A_215 = vector.broadcast %parallel_loop3A_214 : i32 to vector<16xi32>
          %parallel_loop3A_216 = arith.andi %parallel_loop3A_208, %parallel_loop3A_215 : vector<16xi32>
          tpu.vector_store_idx %arg17[%parallel_loop3A_213, %parallel_loop3A_216, %add3A_196], %parallel_loop3A_210 : memref<8x8x128xf32, #tpu.memory_space<vmem>>[vector<16xi32>, vector<16xi32>, vector<16xi32>], vector<16xf32>,
        } {sc.loop_unroll_factor = 8 : i64, sc.parallel_access}
      }
      %scan3A_165 = arith.constant 8 : i32
      %shift_right_arithmetic3A_166 = arith.constant 2 : i32
      %shift_right_arithmetic3A_167 = arith.shrsi %add3A_135, %shift_right_arithmetic3A_166 : i32
      %mul3A_168 = arith.constant 4 : i32
      %mul3A_169 = arith.muli %add3A, %mul3A_168 : i32
      %and3A_170 = arith.constant 3 : i32
      %and3A_171 = arith.andi %add3A_135, %and3A_170 : i32
      %add3A_172 = arith.addi %mul3A_169, %and3A_171 : i32
      %dma_start3A_173 = arith.constant 0 : i32
      %dma_start3A_174 = arith.constant 0 : i32
      %dma_start3A_175 = arith.constant 0 : i32
      %dma_start3A_176 = tpu.memref_slice %arg5[%shift_right_arithmetic3A_167, %dma_start3A_173, %add3A_172, %dma_start3A_174, %dma_start3A_175] : memref<20x8x128x8x128xf32, #tpu.memory_space<hbm>> -> memref<1x8x1x8x128xf32, #tpu.memory_space<hbm>>
      %dma_start3A_177 = tpu.memref_squeeze %dma_start3A_176 : memref<1x8x1x8x128xf32, #tpu.memory_space<hbm>> -> memref<8x8x128xf32, #tpu.memory_space<hbm>>
      %dma_start3A_178 = arith.constant 0 : i32
      %dma_start3A_179 = arith.constant 0 : i32
      %dma_start3A_180 = arith.constant 0 : i32
      %dma_start3A_181 = tpu.memref_slice %arg5[%shift_right_arithmetic3A_167, %dma_start3A_178, %add3A_172, %dma_start3A_179, %dma_start3A_180] : memref<20x8x128x8x128xf32, #tpu.memory_space<hbm>> -> memref<1x8x1x8x128xf32, #tpu.memory_space<hbm>>
      %dma_start3A_182 = tpu.memref_squeeze %dma_start3A_181 : memref<1x8x1x8x128xf32, #tpu.memory_space<hbm>> -> memref<8x8x128xf32, #tpu.memory_space<hbm>>
      tpu.enqueue_dma source(%arg17 : memref<8x8x128xf32, #tpu.memory_space<vmem>>) target(%dma_start3A_182 : memref<8x8x128xf32, #tpu.memory_space<hbm>>) target_semaphore(%arg25 : memref<!tpu.dma_semaphore, #tpu.memory_space<semaphore_mem>>)
    }
    %scan3A_56 = arith.constant 40 : i32
    %dma_wait3A_57 = arith.constant 0 : i32
    %dma_wait3A_58 = arith.constant 0 : i32
    %dma_wait3A_59 = arith.constant 0 : i32
    %dma_wait3A_60 = arith.constant 0 : i32
    %dma_wait3A_61 = arith.constant 0 : i32
    %dma_wait3A_62 = tpu.memref_slice %arg5[%dma_wait3A_57, %dma_wait3A_59, %dma_wait3A_58, %dma_wait3A_60, %dma_wait3A_61] : memref<20x8x128x8x128xf32, #tpu.memory_space<hbm>> -> memref<1x8x1x8x128xf32, #tpu.memory_space<hbm>>
    %dma_wait3A_63 = tpu.memref_squeeze %dma_wait3A_62 : memref<1x8x1x8x128xf32, #tpu.memory_space<hbm>> -> memref<8x8x128xf32, #tpu.memory_space<hbm>>
    %dma_wait3A_64 = arith.constant 0 : i32
    %dma_wait3A_65 = arith.constant 0 : i32
    %dma_wait3A_66 = arith.constant 0 : i32
    %dma_wait3A_67 = tpu.memref_slice %arg5[%dma_wait3A_57, %dma_wait3A_64, %dma_wait3A_58, %dma_wait3A_65, %dma_wait3A_66] : memref<20x8x128x8x128xf32, #tpu.memory_space<hbm>> -> memref<1x8x1x8x128xf32, #tpu.memory_space<hbm>>
    %dma_wait3A_68 = tpu.memref_squeeze %dma_wait3A_67 : memref<1x8x1x8x128xf32, #tpu.memory_space<hbm>> -> memref<8x8x128xf32, #tpu.memory_space<hbm>>
    tpu.wait_dma2 semaphore(%arg24 : memref<!tpu.dma_semaphore, #tpu.memory_space<semaphore_mem>>) src(%arg16 : memref<8x8x128xf32, #tpu.memory_space<vmem>>) dst(%dma_wait3A_68 : memref<8x8x128xf32, #tpu.memory_space<hbm>>)
    %dma_wait3A_69 = arith.constant 0 : i32
    %dma_wait3A_70 = arith.constant 0 : i32
    %dma_wait3A_71 = arith.constant 0 : i32
    %dma_wait3A_72 = arith.constant 0 : i32
    %dma_wait3A_73 = arith.constant 0 : i32
    %dma_wait3A_74 = tpu.memref_slice %arg5[%dma_wait3A_69, %dma_wait3A_71, %dma_wait3A_70, %dma_wait3A_72, %dma_wait3A_73] : memref<20x8x128x8x128xf32, #tpu.memory_space<hbm>> -> memref<1x8x1x8x128xf32, #tpu.memory_space<hbm>>
    %dma_wait3A_75 = tpu.memref_squeeze %dma_wait3A_74 : memref<1x8x1x8x128xf32, #tpu.memory_space<hbm>> -> memref<8x8x128xf32, #tpu.memory_space<hbm>>
    %dma_wait3A_76 = arith.constant 0 : i32
    %dma_wait3A_77 = arith.constant 0 : i32
    %dma_wait3A_78 = arith.constant 0 : i32
    %dma_wait3A_79 = tpu.memref_slice %arg5[%dma_wait3A_69, %dma_wait3A_76, %dma_wait3A_70, %dma_wait3A_77, %dma_wait3A_78] : memref<20x8x128x8x128xf32, #tpu.memory_space<hbm>> -> memref<1x8x1x8x128xf32, #tpu.memory_space<hbm>>
    %dma_wait3A_80 = tpu.memref_squeeze %dma_wait3A_79 : memref<1x8x1x8x128xf32, #tpu.memory_space<hbm>> -> memref<8x8x128xf32, #tpu.memory_space<hbm>>
    tpu.wait_dma2 semaphore(%arg25 : memref<!tpu.dma_semaphore, #tpu.memory_space<semaphore_mem>>) src(%arg17 : memref<8x8x128xf32, #tpu.memory_space<vmem>>) dst(%dma_wait3A_80 : memref<8x8x128xf32, #tpu.memory_space<hbm>>)
    return
  }
}

</mosaic_0001>

<sc_bundles>
// kernel: _embedding_lookup.3.cloned.1.call-start
scs
__scs_entry_jumppad:
0x0: {  	(pc) =	sbr.rel $0x88, $3  }
0x1: {  	(tag) =	ssettag $0x0;
	lr =	simm.s32 $0x1  }
0x2: {  	[smem:$0x3F9E] =	sst lr;
	_ =	strace $0xD0000000  }
0x3: {  	_ = 	snop  }
0x4: {  	_ = 	snop  }
0x5: {  	_ = 	snop  }
0x6: {  	_ = 	snop  }
0x7: {  	_ = 	snop  }
__scs_overlays_trampoline_lowered:
0x8: {  	[smem:$0x3FAD] =	sst s0  }
0x9: {  	[smem:$0x3FAE] =	sst s1  }
0xa: {  	[smem:$0x3FAF] =	sst s2  }
0xb: {  	[smem:$0x3FB0] =	sst s3  }
0xc: {  	[smem:$0x3FB1] =	sst s4  }
0xd: {  	[smem:$0x3FB2] =	sst s5  }
0xe: {  	[smem:$0x3FB3] =	sst s6  }
0xf: {  	[smem:$0x3FB4] =	sst s7  }
0x10: {  	[smem:$0x3FB5] =	sst s8  }
0x11: {  	[smem:$0x3FB6] =	sst s9;
	s0 =	simm.s32 @!p0 $0x0  }
0x12: {  	s1 =	sld [smem:$0x3F9C];
	s0 =	simm.s32 @p0 $0x1  }
0x13: {  	[smem:$0x3FB7] =	sst s0;
	s0 =	simm.s32 @!p1 $0x0  }
0x14: {  	s2 =	sld [smem:$0x3F9B];
	s0 =	simm.s32 @p1 $0x1  }
0x15: {  	[smem:$0x3FB8] =	sst s0;
	s0 =	simm.s32 @!p2 $0x0  }
0x16: {  	s3 =	sld [smem:$0x3FDB];
	s0 =	simm.s32 @p2 $0x1  }
0x17: {  	s4 =	simm.s32 $0x1BF5;
	[smem:$0x3FBA] =	sst s0  }
0x18: {  	s0 =	sld [smem:$0x3F9D];
	_ =	swait.ge [sflag:s4], $0x0  }
0x19: {  	s7 =	sld [smem:$0x3F9E]  }
0x1a: {  	s8 =	sadd.s32 $0xFFFFE003, lr  }
0x1b: {  	s9 =	sadd.s32 $0xFFFFFEF7, lr;
	s5 =	simm.s32 $0xFFFFFFFF;
	p2 =	slt.u32 s8, $0xFFFFF086  }
0x1c: {  	p1 =	slt.u32 s9, $0xF7A;
	s5 =	simm.s32 @!p2 $0x0  }
0x1d: {  	s5 =	simm.s32 @p1 $0x1;
	p0 =	seq.s32 s7, s2  }
0x1e: {  	s7 =	smul.u32 @!p0 $0xF7A, s2;
	p2 =	seq.s32 @!p0 s5, $0x0  }
0x1f: {  	s9 =	smul.u32 $0xF7A, s1;
	s8 =	simm.s32 @!p0 $0x1BF5;
	p2 =	por !p2, p0  }
0x20: {  	[sflag:s8] =	ssyncset.s32 @!p0 $0xFFFFF086;
	s6 =	sadd.s32 @!p0 s3, s7;
	s7 =	simm.s32 @!p0 $0x108  }
0x21: {  	s3 =	sadd.s32 s3, s9;
	s6 =	sadd.s32 @!p0 $0x88, s6;
	s7 =	simm.s32 @p2 $0x1082  }
0x22: {  	[simem:s7], [sflag:s8] =	dma.local @!p0 [hbm:s6], $0xF7A  }
0x23: {  	s9 =	sor.u32 $0xD0000000, s2;
	s6 =	simm.s32 $0x108;
	_ =	swait.ge @!p0 [sflag:s8], $0x0  }
0x24: {  	s3 =	sadd.s32 $0x88, s3;
	s6 =	simm.s32 @!p1 $0x1082;
	[sflag:s4] =	ssyncset.s32 $0xFFFFF086  }
0x25: {  	[simem:s6], [sflag:s4] =	dma.local [hbm:s3], $0xF7A  }
0x26: {  	[smem:$0x3F9E] =	sst s1;
	(tag) =	ssettag s2;
	_ =	strace s9  }
0x27: {  	s1 =	sld [smem:$0x3FAE]  }
0x28: {  	s2 =	sld [smem:$0x3FAF]  }
0x29: {  	s4 =	sld [smem:$0x3FB1]  }
0x2a: {  	p0 =	seq.s32 s5, $0x0;
	s5 =	sld [smem:$0x3FB2]  }
0x2b: {  	s6 =	sld [smem:$0x3FB3]  }
0x2c: {  	s7 =	sld [smem:$0x3FB4]  }
0x2d: {  	s3 =	simm.s32 $0x108;
	s8 =	sld [smem:$0x3FB5]  }
0x2e: {  	s3 =	simm.s32 @!p0 $0x1082;
	s9 =	sld [smem:$0x3FB6]  }
0x2f: {  	lr =	sadd.s32 s0, s3;
	s0 =	sld [smem:$0x3FAD]  }
0x30: {  	s3 =	sld [smem:$0x3FB0]  }
0x31: {  	[smem:$0x3FB9] =	sst s10  }
0x32: {  	s10 =	sld [smem:$0x3FB7];
	_ =	sdelay $0x3  }
0x33: {  	p0 =	seq.s32 s10, $0x1;
	s10 =	sld [smem:$0x3FB9];
	_ =	sdelay $0x3  }
0x34: {  	[smem:$0x3FB9] =	sst s10  }
0x35: {  	s10 =	sld [smem:$0x3FB8];
	_ =	sdelay $0x3  }
0x36: {  	p1 =	seq.s32 s10, $0x1;
	s10 =	sld [smem:$0x3FB9];
	_ =	sdelay $0x3  }
0x37: {  	[smem:$0x3FB9] =	sst s10  }
0x38: {  	s10 =	sld [smem:$0x3FBA]  }
0x39: {  	_ = 	snop;
	(pc) =	sbr.ind lr, $3  }
0x3a: {  	_ = 	snop  }
0x3b: {  	_ = 	snop  }
0x3c: {  	p2 =	seq.s32 s10, $0x1;
	s10 =	sld [smem:$0x3FB9]  }
0x3d: {  	_ =	shalt  }
0x3e: {  	_ =	shalt  }
0x3f: {  	_ =	shalt  }
0x40: {  	_ =	shalt  }
0x41: {  	_ =	shalt  }
0x42: {  	_ =	shalt  }
0x43: {  	_ =	shalt  }
0x44: {  	_ =	shalt  }
0x45: {  	_ =	shalt  }
0x46: {  	_ =	shalt  }
0x47: {  	_ =	shalt  }
0x48: {  	_ =	shalt  }
0x49: {  	_ =	shalt  }
0x4a: {  	_ =	shalt  }
0x4b: {  	_ =	shalt  }
0x4c: {  	_ =	shalt  }
0x4d: {  	_ =	shalt  }
0x4e: {  	_ =	shalt  }
0x4f: {  	_ =	shalt  }
0x50: {  	_ =	shalt  }
0x51: {  	_ =	shalt  }
0x52: {  	_ =	shalt  }
0x53: {  	_ =	shalt  }
0x54: {  	_ =	shalt  }
0x55: {  	_ =	shalt  }
0x56: {  	_ =	shalt  }
0x57: {  	_ =	shalt  }
0x58: {  	_ =	shalt  }
0x59: {  	_ =	shalt  }
0x5a: {  	_ =	shalt  }
0x5b: {  	_ =	shalt  }
0x5c: {  	_ =	shalt  }
0x5d: {  	_ =	shalt  }
0x5e: {  	_ =	shalt  }
0x5f: {  	_ =	shalt  }
0x60: {  	_ =	shalt  }
0x61: {  	_ =	shalt  }
0x62: {  	_ =	shalt  }
0x63: {  	_ =	shalt  }
0x64: {  	_ =	shalt  }
0x65: {  	_ =	shalt  }
0x66: {  	_ =	shalt  }
0x67: {  	_ =	shalt  }
0x68: {  	_ =	shalt  }
0x69: {  	_ =	shalt  }
0x6a: {  	_ =	shalt  }
0x6b: {  	_ =	shalt  }
0x6c: {  	_ =	shalt  }
0x6d: {  	_ =	shalt  }
0x6e: {  	_ =	shalt  }
0x6f: {  	_ =	shalt  }
0x70: {  	_ =	shalt  }
0x71: {  	_ =	shalt  }
0x72: {  	_ =	shalt  }
0x73: {  	_ =	shalt  }
0x74: {  	_ =	shalt  }
0x75: {  	_ =	shalt  }
0x76: {  	_ =	shalt  }
0x77: {  	_ =	shalt  }
0x78: {  	_ =	shalt  }
0x79: {  	_ =	shalt  }
0x7a: {  	_ =	shalt  }
0x7b: {  	_ =	shalt  }
0x7c: {  	_ =	shalt  }
0x7d: {  	_ =	shalt  }
0x7e: {  	_ =	shalt  }
0x7f: {  	_ =	shalt  }
0x80: {  	_ =	shalt  }
0x81: {  	_ =	shalt  }
0x82: {  	_ =	shalt  }
0x83: {  	_ =	shalt  }
0x84: {  	_ =	shalt  }
0x85: {  	_ =	shalt  }
0x86: {  	_ =	shalt  }
0x87: {  	_ =	shalt  }
.Lfunc_end0:
.L_simem_size_0:
called_computation_lowered:
.L_overlay_start_0:
0x88: {  	s2 =	sld [smem:$0x3FD9]  }
0x89: {  	s3 =	sld [smem:$0x3FFE];
	_ =	sdelay $0x1  }
0x8a: {  	s1 =	srdreg.scid  }
0x8b: {  	s0 =	sand.u32 $0x1, s1  }
0x8c: {  	s19 =	sshll.u32 s0, $0xA;
	s2 =	sadd.s32 s3, s2  }
0x8d: {  	s3 =	sadd.s32 s2, s19  }
0x8e: {  	[smem:$0x3FC5] =	sst s3  }
0x8f: {  	_ = 	snop  }
0x90: {  	s3 =	sld [smem:$0x3FC9]  }
0x91: {  	s4 =	sld [smem:$0x3FC8]  }
0x92: {  	s5 =	sld [smem:$0x3FC7]  }
0x93: {  	s6 =	sld [smem:$0x3FD0];
	(tm) =	ssettm $0x1  }
0x94: {  	s7 =	sld [smem:$0x3FFB];
	_ =	sdelay $0x3  }
0x95: {  	_ =	strace s7  }
0x96: {  	s7 =	sld [smem:$0x3FFC];
	_ =	sdelay $0x3  }
0x97: {  	_ =	strace s7  }
0x98: {  	s7 =	sld [smem:$0x3FFD];
	_ =	sdelay $0x3  }
0x99: {  	_ =	strace s7  }
0x9a: {  	_ =	strace $0x8FFFFFFF  }
0x9b: {  	s20 =	sld [smem:$0x3FDB];
	_ =	sdelay $0x1  }
0x9c: {  	s8 =	simm.s32 $_scs_section_size  }
0x9d: {  	s9 =	simm.s32 $_size__tile_overlayer_lowered;
	s10 =	simm.s32 $_tile_overlayer_lowered  }
0x9e: {  	s23 =	simm.s32 $0x1BFF;
	s22 =	sshll.u32 s10, $0x1;
	s7 =	sadd.s32 s8, s20  }
0x9f: {  	s11 =	simm.s32 $0x0;
	s21 =	sshll.u32 s9, $0x1;
	s9 =	sadd.s32 s22, s7  }
0xa0: {  	[timem:s11], [sflag:s23] =	dma.local [hbm:s9], s21  }
0xa1: {  	_ =	swait.ge [sflag:s23], s21  }
0xa2: {  	s8 =	ssub.s32 $0x0, s21;
	[sflag:s23] =	ssyncset.done $0x0  }
0xa3: {  	[sflag:s23] =	ssyncadd.s32 s8;
	_ =	sdelay $0x1  }
0xa4: {  	s24 =	simm.s32 $0x1B8B  }
0xa5: {  	_ =	swait.ge [sflag:s24], $0x1  }
0xa6: {  	[sflag:s24] =	ssyncset.done $0x0  }
0xa7: {  	s25 =	simm.s32 $0x1B8E;
	[sflag:s24] =	ssyncadd.s32 $0xFFFFFFFF  }
0xa8: {  	s26 =	simm.s32 $execute0_lowered;
	[smem:$0x3FD2] =	sst s25  }
0xa9: {  	s8 =	sshll.u32 s26, $0x1;
	_ =	strace $0x80000046;
	[dreg:$0x1] =	wrdreg $0xFFFFFFFF  }
0xaa: {  	s28 =	simm.s32 $_size_execute0_lowered;
	s7 =	sadd.s32 s7, s8;
	[dreg:$0x0] =	wrdreg $0x0  }
0xab: {  	s8 =	sshll.u32 s28, $0x1;
	[dreg:$0x2] =	wrdreg s7  }
0xac: {  	[dreg:$0x3] =	wrdreg s8  }
0xad: {  	[dreg:$0x4] =	wrdreg $0xC0  }
0xae: {  	_ =	task [dreg:s11], $0x5FFFF  }
0xaf: {  	[dreg:$0x1] =	wrdreg $0xFFFFFFFF  }
0xb0: {  	[dreg:$0x0] =	wrdreg $0x60  }
0xb1: {  	[dreg:$0x2] =	wrdreg s3  }
0xb2: {  	[dreg:$0x3] =	wrdreg s4  }
0xb3: {  	[dreg:$0x4] =	wrdreg s5  }
0xb4: {  	s2 =	sadd.s32 $0x800, s2;
	[dreg:$0x5] =	wrdreg s6  }
0xb5: {  	[dreg:$0x6] =	wrdreg s2  }
0xb6: {  	[dreg:$0x7] =	wrdreg $0x9  }
0xb7: {  	_ =	task.clear_ibuf [dreg:s11], $0x8FFFF;
	_ =	strace $0x90000046  }
0xb8: {  	s29 =	simm.s32 $0x9;
	_ =	strace $0x80000049  }
0xb9: {  	_ =	swait.ge [sflag:s29], $0x1  }
0xba: {  	[sflag:s29] =	ssyncadd.s32 $0xFFFFFFFF  }
0xbb: {  	_ =	strace $0x90000049  }
0xbc: {  	_ =	sfence  }
0xbd: {  	s30 =	sld [smem:$0x0];
	_ =	sdelay $0x2  }
0xbe: {  	s31 =	sshll.u32 s1, $0xD;
	s1 =	sshrl.u32 s1, $0x2  }
0xbf: {  	s3 =	sand.u32 $0x4000, s31;
	s1 =	sadd.s32 s1, s30  }
0xc0: {  	s0 =	sor.u32 s3, s0;
	s1 =	sshll.u32 s1, $0x11  }
0xc1: {  	s0 =	sor.u32 s1, s0  }
0xc2: {  	s0 =	sadd.s32 $0x8F2B, s0  }
0xc3: {  	[sflag:s0] =	ssyncadd.remote.s32 $0x1  }
0xc4: {  	_ =	sfence.sel $0xFFFF  }
0xc5: {  	[dreg:$0x0] =	wrdreg $0xFFFFFFFF;
	(pc) =	sbr.abs _section_cstart, $3  }
0xc6: {  	[dreg:$0x1] =	wrdreg $0xFFFFFFFF  }
0xc7: {  	_ =	task.clear_ibuf [dreg:s11], $0x2FFFF;
	_ =	strace $0x9FFFFFFF  }
0xc8: {  	(tm) =	ssettm $0x7FFFFFFF  }
0xc9: {  	_ =	shalt  }
tec
execute0_lowered:
.L_overlay_start_1:
0x0: {  	(tag) =	ssettag $0x1  }
0x1: {  	s0 =	rddreg [dreg:$0x0]  }
0x2: {  	s1 =	rddreg [dreg:$0x1]  }
0x3: {  	s10 =	rddreg [dreg:$0x2]  }
0x4: {  	s5 =	rddreg [dreg:$0x4]  }
0x5: {  	s2 =	srdreg.scid;
	s7 =	stileid.u32;
	s6 =	simm.s32 $0x0  }
0x6: {  	s15 =	simm.s32 $0x1;
	[smem:$0x7FF] =	sst s6;
	s19 =	sshrl.u32 s2, $0x2  }
0x7: {  	s21 =	sadd.s32 $0x80, s10;
	_ =	strace $0x80000047;
	[dreg:$0x7] =	wrdreg s19  }
0x8: {  	v0 =	vimm.s32 $0x38F;
	vm0 =	vcmask $0x300;
	s28 =	simm.s32 $0x4000;
	s22 =	sadd.s32 $0x100, s10;
	[dreg:$0xa] =	wrdreg s21  }
0x9: {  	vm14 =	vcmask $0x704;
	s29 =	simm.s32 $0xC000;
	v0 =	vsel vm0, $0x0, v0;
	s23 =	sadd.s32 $0x180, s10;
	[dreg:$0xb] =	wrdreg s22  }
0xa: {  	vm15 =	vcmask $0xB08;
	s3 =	sand.u32 $0x1, s2;
	s24 =	sadd.s32 $0x200, s10;
	[dreg:$0xc] =	wrdreg s23;
	v0 =	vsel vm14, $0x81, v0  }
0xb: {  	vm4 =	vcmask $0xF0C;
	s7 =	sshll.u32 s7, $0x1;
	s25 =	sadd.s32 $0x280, s10;
	[dreg:$0xd] =	wrdreg s24;
	v0 =	vsel vm15, $0x102, v0  }
0xc: {  	vm5 =	vcmask $0x1310;
	s26 =	sadd.s32 $0x300, s10;
	s30 =	sadd.s32 $0x380, s10;
	[dreg:$0xe] =	wrdreg s25;
	v0 =	vsel vm4, $0x183, v0  }
0xd: {  	vm6 =	vcmask $0x1714;
	s31 =	sand.u32 $0x3, s2;
	s10 =	simm.s32 $0x8;
	[dreg:$0xf] =	wrdreg s26;
	v1 =	vsel vm5, $0x204, v0  }
0xe: {  	vm7 =	vcmask $0x1B18;
	s4 =	ssub.s32 $0x2, s3;
	s7 =	sor.u32 s3, s7;
	[dreg:$0x10] =	wrdreg s30;
	v0 =	vlaneseq.u32;
	v1 =	vsel vm6, $0x285, v1  }
0xf: {  	vm8 =	vcmask $0x1F1C;
	s24 =	simm.s32 $0x8000;
	s22 =	simm.s32 $0x5;
	s19 =	simm.s32 $0x1B100;
	v2 =	vand.u32 $0x7, v0;
	v3 =	vsel vm7, $0x306, v1  }
0x10: {  	vm9 =	vcmask $0x2320;
	s3 =	simm.s32 $0x400;
	s21 =	simm.s32 $0x6;
	s8 =	sshrl.u32 s4, $0x1;
	v1 =	vmul.u32 $0x80, v2;
	v2 =	vsel vm8, $0x387, v3  }
0x11: {  	vm10 =	vcmask $0x2724;
	s17 =	sshll.u32 s7, $0x8;
	s9 =	sor.u32 $0x40, s7;
	s18 =	sshll.u32 s7, $0x9;
	v3 =	vshrl.u32 v0, $0x1;
	v4 =	vsel vm9, $0x8, v2  }
0x12: {  	vm11 =	vcmask $0x2B28;
	s12 =	sshll.u32 s7, $0x2;
	s16 =	ssub.s32 s4, s8;
	s4 =	sadd.s32 s1, s17;
	v2 =	vmul.u32 $0x80, v3;
	v3 =	vsel vm10, $0x89, v4  }
0x13: {  	vm12 =	vcmask $0x2F2C;
	vm13 =	vcmask $0x3330;
	p0 =	sne.s32 s7, $0x0;
	s0 =	sadd.s32 s0, s18;
	[dreg:$0x6] =	wrdreg s4;
	v5 =	vsel vm11, $0x10A, v3  }
0x14: {  	vm14 =	vcmask $0x3734;
	s18 =	simm.s32 $0x2;
	s17 =	simm.s32 $0x17100;
	[dreg:$0x8] =	wrdreg s0;
	v3 =	vmul.u32 $0x40, v0;
	v5 =	vsel vm12, $0x18B, v5  }
0x15: {  	vm15 =	vcmask $0x3B38;
	s20 =	smax.u32 s16, $0x1;
	s0 =	sxor.u32 $0x5, s31;
	s16 =	simm.s32 $0x20000;
	v4 =	vand.u32 $0x1, v0;
	v6 =	vsel vm13, $0x20C, v5  }
0x16: {  	s4 =	simm.s32 $0x0;
	[dreg:$0x9] =	wrdreg s20;
	s0 =	sshll.u32 s0, $0xE;
	v4 =	vmul.u32 $0x40, v4;
	v5 =	vor.u32 $0x400, v3;
	v8 =	vsel vm14, $0x28D, v6  }
0x17: {  	s20 =	simm.s32 $0x13100;
	[dreg:$0x11] =	wrdreg s0;
	s0 =	simm.s32 $0x1D100;
	v7 =	vor.u32 $0xC00, v3;
	v6 =	vor.u32 $0x800, v3;
	v8 =	vsel vm15, $0x30E, v8  }
.LBB2_1:
.Ltmp0:
0x18: {  	(pc) =	sbr.rel .LBB2_2-.Ltmp0, $4  }
0x19: {  	[dreg:$0x12] =	wrdreg s4  }
0x1a: {  	s2 =	rddreg [dreg:$0x6]  }
0x1b: {  	s31 =	simm.s32 $0x800;
	s8 =	simm.s32 $0x7A1400;
	s13 =	simm.s32 $0x0  }
0x1c: {  	[tilespmem:s6], [sflag:$0x1] =	stream.strided.gather [hbm4b:s2+s31], $0x4000, s8, s31, $0x38;
	[tilespmem:$0x1F100] =	vst v63  }
.LBB2_10:
0x1d: {  	s13 =	sadd.s32 $0x1, s13  }
0x1e: {  	p1 =	sne.s32 s13, $0x3E  }
.Ltmp1:
0x1f: {  	_ = 	snop;
	(pc) =	sbr.rel @!p1 .LBB2_11-.Ltmp1, $1  }
0x20: {  	_ =	sdelay $0x3  }
.LBB2_2:
0x21: {  	s30 =	sshll.u32 s13, $0x6  }
0x22: {  	s31 =	sor.u32 s7, s30  }
0x23: {  	p3 =	sgt.u32 s31, $0xF41  }
.Ltmp2:
0x24: {  	s25 =	sor.u32 $0x20, s31;
	(pc) =	sbr.rel @p3 .LBB2_6-.Ltmp2, $4  }
0x25: {  	p2 =	sgt.u32 s25, $0xF41  }
0x26: {  	p1 =	seq.s32 s13, $0x0;
	s2 =	sshll.u32 @!p2 s25, $0x8;
	s4 =	simm.s32 @!p2 $0x800  }
0x27: {  	s8 =	simm.s32 @!p2 $0x7A1400;
	s11 =	simm.s32 @!p2 $0x4000;
	s2 =	sadd.s32 @!p2 s1, s2  }
0x28: {  	[tilespmem:s11], [sflag:$0x2] =	stream.strided.gather @!p2 [hbm4b:s2+s4], $0x4000, s8, s4, $0x38;
	[tilespmem:$0x1F100] =	vst v63  }
0x29: {  	s2 =	simm.s32 $0x0;
	s4 =	simm.s32 $0x1;
	s8 =	simm.s32 $0x2  }
0x2a: {  	s14 =	simm.s32 $0x3;
	s11 =	simm.s32 $0x4;
	s23 =	simm.s32 $0x5;
	v9 =	vadd.s32 s2, v0;
	v10 =	vadd.s32 s4, v0;
	v11 =	vadd.s32 s8, v0  }
0x2b: {  	s26 =	simm.s32 $0x6;
	v12 =	vadd.s32 s14, v0;
	v13 =	vadd.s32 s11, v0;
	v14 =	vadd.s32 s23, v0  }
0x2c: {  	v17 =	vadd.s32 s26, v0;
	v9 =	vand.u32 $0xF, v9;
	v15 =	vshll.u32 v10, $0x7  }
0x2d: {  	v16 =	vshll.u32 v11, $0x7;
	v18 =	vshll.u32 v12, $0x7;
	v19 =	vshll.u32 v13, $0x7  }
0x2e: {  	v20 =	vshll.u32 v14, $0x7;
	v10 =	vand.u32 $0xF, v10;
	v11 =	vand.u32 $0xF, v11  }
0x2f: {  	s8 =	simm.s32 $0x7;
	v21 =	vshll.u32 v17, $0x7;
	v12 =	vand.u32 $0xF, v12;
	v13 =	vand.u32 $0xF, v13  }
0x30: {  	s11 =	simm.s32 $0x0;
	s14 =	simm.s32 $0x0;
	v14 =	vand.u32 $0xF, v14;
	v17 =	vand.u32 $0xF, v17;
	v22 =	vadd.s32 s8, v0  }
0x31: {  	v24 =	vmov s11;
	v26 =	vor.u32 s11, v0;
	v28 =	vmov s14  }
0x32: {  	v15 =	vand.u32 $0x380, v15;
	v16 =	vand.u32 $0x380, v16;
	v18 =	vand.u32 $0x380, v18  }
0x33: {  	s2 =	sand.u32 $0x30, s2;
	v19 =	vand.u32 $0x380, v19;
	v20 =	vand.u32 $0x380, v20;
	v23 =	vand.u32 $0xF, v22  }
0x34: {  	v21 =	vand.u32 $0x380, v21;
	v10 =	vor.u32 s2, v10;
	v11 =	vor.u32 s2, v11  }
0x35: {  	v22 =	vshll.u32 v22, $0x7;
	v24 =	vshll.u32 v24, $0x3;
	v12 =	vor.u32 s2, v12  }
0x36: {  	s14 =	simm.s32 $0xC;
	v13 =	vor.u32 s2, v13;
	v17 =	vor.u32 s2, v17;
	v28 =	vshll.u32 v28, $0x7  }
0x37: {  	v9 =	vor.u32 s2, v9;
	v38 =	vadd.s32 s14, v0;
	v23 =	vor.u32 s2, v23  }
0x38: {  	v22 =	vand.u32 $0x380, v22;
	v24 =	vand.u32 $0x400, v24;
	v27 =	vshll.u32 v11, $0x8  }
0x39: {  	v29 =	vshll.u32 v12, $0x8;
	v30 =	vshll.u32 v13, $0x8;
	v32 =	vshll.u32 v17, $0x8  }
0x3a: {  	v28 =	vor.u32 v2, v28;
	v33 =	vshll.u32 v38, $0x7;
	v25 =	vshll.u32 v23, $0x8  }
0x3b: {  	v28 =	vor.u32 v4, v28;
	v27 =	vand.u32 $0x3800, v27;
	v29 =	vand.u32 $0x3800, v29  }
0x3c: {  	v30 =	vand.u32 $0x3800, v30;
	v25 =	vand.u32 $0x3800, v25;
	v34 =	vor.u32 v23, v28  }
0x3d: {  	v23 =	vshll.u32 v9, $0x8;
	v16 =	vor.u32 v27, v16;
	v18 =	vor.u32 v29, v18  }
0x3e: {  	v19 =	vor.u32 v30, v19;
	v9 =	vor.u32 v9, v28;
	v36 =	vor.u32 v10, v28  }
0x3f: {  	v13 =	vor.u32 v13, v28;
	v22 =	vor.u32 v25, v22;
	v25 =	vand.u32 $0x7F, v26  }
0x40: {  	v26 =	vor.u32 s2, v14;
	v14 =	vshll.u32 v10, $0x8;
	v16 =	vor.u32 v24, v16  }
0x41: {  	s23 =	simm.s32 $0x9;
	v18 =	vor.u32 v24, v18;
	v19 =	vor.u32 v24, v19;
	v10 =	vor.u32 v17, v28  }
0x42: {  	v17 =	vadd.s32 s23, v0;
	v22 =	vor.u32 v24, v22;
	v31 =	vshll.u32 v26, $0x8  }
0x43: {  	_ =	swait.ge [sflag:s15], $0x4000;
	v14 =	vand.u32 $0x3800, v14;
	v27 =	vor.u32 v24, v25;
	v16 =	vor.u32 v25, v16  }
0x44: {  	[sflag:s15] =	ssyncset.done $0x0;
	v19 =	vor.u32 v25, v19;
	v22 =	vor.u32 v25, v22;
	v14 =	vor.u32 v14, v15  }
0x45: {  	[sflag:s15] =	ssyncadd.s32 $0xFFFFC000;
	s2 =	simm.s32 @!p1 $0x3;
	v31 =	vand.u32 $0x3800, v31;
	v15 =	vand.u32 $0x3800, v32;
	v14 =	vor.u32 v24, v14  }
0x46: {  	s23 =	simm.s32 $0xD;
	_ =	swait.ge @!p1 [sflag:s2], $0x4000;
	v15 =	vor.u32 v15, v21;
	v21 =	vand.u32 $0x3800, v23;
	v23 =	vor.u32 v25, v14  }
0x47: {  	v18 =	vor.u32 v25, v18;
	v39 =	vadd.s32 s23, v0;
	[sflag:s2] =	ssyncset.done @!p1 $0x0;
	v20 =	vor.u32 v31, v20  }
0x48: {  	v40 =	vshll.u32 v17, $0x7;
	[sflag:s2] =	ssyncadd.s32 @!p1 $0xFFFFC000;
	v21 =	vor.u32 v21, v27;
	v20 =	vor.u32 v24, v20  }
0x49: {  	v15 =	vor.u32 v24, v15;
	v20 =	vor.u32 v25, v20;
	v35 =	vor.u32 v1, v21;
	v21 =	vld.idx.msk [tilespmem:v19+s6+$0x0], $0xffff  }
0x4a: {  	s26 =	simm.s32 $0xA;
	s11 =	simm.s32 $0xB;
	v30 =	vshll.u32 v39, $0x7;
	v14 =	vor.u32 v12, v28;
	v24 =	vor.u32 v25, v15;
	v25 =	vld.idx.msk [tilespmem:v22+s6+$0x0], $0xffff  }
0x4b: {  	s2 =	simm.s32 $0x8;
	v12 =	vor.u32 v26, v28;
	v26 =	vadd.s32 s26, v0;
	v27 =	vadd.s32 s11, v0;
	v37 =	vld.idx.msk [tilespmem:v23+s6+$0x0], $0xffff  }
0x4c: {  	s26 =	simm.s32 $0xE;
	v15 =	vor.u32 v11, v28;
	v11 =	vadd.s32 s2, v0;
	v41 =	vshll.u32 v26, $0x7;
	v23 =	vld.idx.msk [tilespmem:v16+s6+$0x0], $0xffff  }
0x4d: {  	v42 =	vadd.s32 s26, v0;
	v32 =	vshll.u32 v27, $0x7;
	v28 =	vand.u32 $0xF, v17;
	v22 =	vld.idx.msk [tilespmem:v18+s6+$0x0], $0xffff  }
0x4e: {  	v29 =	vand.u32 $0xF, v26;
	v27 =	vand.u32 $0xF, v27;
	v26 =	vand.u32 $0xF, v39;
	v16 =	vld.idx.msk [tilespmem:v20+s6+$0x0], $0xffff  }
0x4f: {  	v11 =	vand.u32 $0xF, v11;
	v31 =	vshll.u32 v42, $0x7;
	v19 =	vand.u32 $0x380, v41;
	v17 =	vld.idx.msk [tilespmem:v24+s6+$0x0], $0xffff;
	[tilespmem:v34+s24+$0x0] =	vst.idx.msk $0xffff, v25  }
0x50: {  	s4 =	simm.s32 $0x10;
	s8 =	simm.s32 $0xF;
	v20 =	vand.u32 $0x380, v40;
	v24 =	vand.u32 $0xF, v42;
	v18 =	vld.idx.msk [tilespmem:v35+s6+$0x0], $0xffff;
	v25 =	vand.u32 $0xF, v38;
	[tilespmem:v36+s24+$0x0] =	vst.idx.msk $0xffff, v37  }
.LBB2_4:
0x51: {  	p3 =	slt.u32 s4, $0x3F8;
	v32 =	vand.u32 $0x380, v32;
	v33 =	vand.u32 $0x380, v33;
	v34 =	vadd.s32 s8, v0;
	[tilespmem:v15+s24+$0x0] =	vst.idx.msk $0xffff, v23  }
0x52: {  	s8 =	sshrl.u32 s2, $0x6;
	s11 =	sand.u32 $0x30, s2;
	v15 =	vand.u32 $0x380, v30;
	v23 =	vand.u32 $0x380, v31;
	s2 =	smov.u32 s4;
	v30 =	vand.u32 $0xF, v34;
	[tilespmem:v14+s24+$0x0] =	vst.idx.msk $0xffff, v22  }
0x53: {  	s14 =	sshll.u32 s8, $0x4;
	v14 =	vor.u32 s11, v28;
	v22 =	vor.u32 s11, v29;
	v28 =	vor.u32 s11, v30;
	[tilespmem:v13+s24+$0x0] =	vst.idx.msk $0xffff, v21  }
0x54: {  	v29 =	vshll.u32 v34, $0x7;
	v13 =	vmov s14;
	v21 =	vshll.u32 v28, $0x8;
	[tilespmem:v12+s24+$0x0] =	vst.idx.msk $0xffff, v16  }
0x55: {  	v12 =	vshll.u32 v13, $0x3;
	v16 =	vand.u32 $0x380, v29;
	v13 =	vand.u32 $0x3800, v21;
	[tilespmem:v10+s24+$0x0] =	vst.idx.msk $0xffff, v17  }
0x56: {  	v10 =	vor.u32 s14, v0;
	v12 =	vand.u32 $0x400, v12;
	v13 =	vor.u32 v13, v16;
	[tilespmem:v9+s24+$0x0] =	vst.idx.msk $0xffff, v18  }
0x57: {  	v9 =	vand.u32 $0x7F, v10;
	v10 =	vor.u32 s11, v27;
	v13 =	vor.u32 v12, v13  }
0x58: {  	v17 =	vor.u32 s11, v26;
	v16 =	vor.u32 s11, v25;
	v13 =	vor.u32 v9, v13  }
0x59: {  	s8 =	sshll.u32 s8, $0x3;
	v24 =	vor.u32 s11, v24;
	v21 =	vshll.u32 v22, $0x8;
	v18 =	vshll.u32 v14, $0x8  }
0x5a: {  	v25 =	vmov s8;
	v26 =	vshll.u32 v10, $0x8;
	v27 =	vshll.u32 v16, $0x8  }
0x5b: {  	v30 =	vshll.u32 v24, $0x8;
	v29 =	vshll.u32 v17, $0x8;
	v25 =	vshll.u32 v25, $0x7  }
0x5c: {  	v11 =	vor.u32 s11, v11;
	v18 =	vand.u32 $0x3800, v18;
	v25 =	vor.u32 v2, v25  }
0x5d: {  	v21 =	vand.u32 $0x3800, v21;
	v26 =	vand.u32 $0x3800, v26;
	v25 =	vor.u32 v4, v25;
	v13 =	vld.idx.msk [tilespmem:v13+s6+$0x0], $0xffff  }
0x5e: {  	v29 =	vand.u32 $0x3800, v29;
	v27 =	vand.u32 $0x3800, v27;
	v28 =	vor.u32 v28, v25  }
0x5f: {  	v31 =	vshll.u32 v11, $0x8;
	v18 =	vor.u32 v18, v20;
	v20 =	vand.u32 $0x3800, v30  }
0x60: {  	v19 =	vor.u32 v21, v19;
	v21 =	vor.u32 v26, v32;
	v26 =	vor.u32 v27, v33  }
0x61: {  	v15 =	vor.u32 v29, v15;
	v27 =	vor.u32 v12, v9;
	v20 =	vor.u32 v20, v23  }
0x62: {  	v19 =	vor.u32 v12, v19;
	v23 =	vand.u32 $0x3800, v31;
	v18 =	vor.u32 v12, v18  }
0x63: {  	v21 =	vor.u32 v12, v21;
	v26 =	vor.u32 v12, v26;
	[tilespmem:v28+s24+$0x0] =	vst.idx.msk $0xffff, v13  }
0x64: {  	v15 =	vor.u32 v12, v15;
	v12 =	vor.u32 v12, v20;
	v13 =	vor.u32 v23, v27  }
0x65: {  	v19 =	vor.u32 v9, v19;
	v18 =	vor.u32 v9, v18;
	v20 =	vor.u32 v9, v21  }
0x66: {  	v21 =	vor.u32 v9, v26;
	v26 =	vor.u32 v9, v15;
	v34 =	vor.u32 v9, v12  }
0x67: {  	v36 =	vor.u32 v14, v25;
	v9 =	vor.u32 v11, v25;
	v35 =	vor.u32 v1, v13  }
0x68: {  	v14 =	vor.u32 v10, v25;
	v15 =	vor.u32 v22, v25;
	v13 =	vor.u32 v16, v25  }
0x69: {  	s8 =	sadd.s32 $0x1, s4;
	s11 =	sadd.s32 $0x2, s4;
	v10 =	vor.u32 v24, v25;
	v11 =	vadd.s32 s4, v0;
	v12 =	vor.u32 v17, v25  }
0x6a: {  	s14 =	sadd.s32 $0x5, s4;
	v17 =	vadd.s32 s11, v0;
	s11 =	sadd.s32 $0x4, s4;
	v11 =	vand.u32 $0xF, v11;
	v16 =	vadd.s32 s8, v0;
	s8 =	sadd.s32 $0x3, s4;
	v37 =	vld.idx.msk [tilespmem:v18+s6+$0x0], $0xffff  }
0x6b: {  	v38 =	vadd.s32 s14, v0;
	v24 =	vadd.s32 s11, v0;
	v18 =	vadd.s32 s8, v0;
	s8 =	sadd.s32 $0x6, s4;
	v23 =	vld.idx.msk [tilespmem:v19+s6+$0x0], $0xffff  }
.Ltmp3:
0x6c: {  	v39 =	vshll.u32 v17, $0x7;
	v19 =	vshll.u32 v16, $0x7;
	v40 =	vadd.s32 s8, v0;
	v22 =	vld.idx.msk [tilespmem:v20+s6+$0x0], $0xffff;
	(pc) =	sbr.rel @p3 .LBB2_4-.Ltmp3, $4  }
0x6d: {  	v30 =	vshll.u32 v38, $0x7;
	v33 =	vshll.u32 v24, $0x7;
	v32 =	vshll.u32 v18, $0x7;
	v21 =	vld.idx.msk [tilespmem:v21+s6+$0x0], $0xffff  }
0x6e: {  	v29 =	vand.u32 $0xF, v17;
	v28 =	vand.u32 $0xF, v16;
	v31 =	vshll.u32 v40, $0x7;
	v16 =	vld.idx.msk [tilespmem:v26+s6+$0x0], $0xffff  }
0x6f: {  	v25 =	vand.u32 $0xF, v24;
	v27 =	vand.u32 $0xF, v18;
	v26 =	vand.u32 $0xF, v38;
	v17 =	vld.idx.msk [tilespmem:v34+s6+$0x0], $0xffff  }
0x70: {  	s4 =	sadd.s32 $0x8, s4;
	s8 =	sadd.s32 $0x7, s2;
	v20 =	vand.u32 $0x380, v19;
	v19 =	vand.u32 $0x380, v39;
	v24 =	vand.u32 $0xF, v40;
	v18 =	vld.idx.msk [tilespmem:v35+s6+$0x0], $0xffff;
	[tilespmem:v36+s24+$0x0] =	vst.idx.msk $0xffff, v37  }
0x71: {  	v32 =	vand.u32 $0x380, v32;
	v33 =	vand.u32 $0x380, v33;
	v34 =	vadd.s32 s8, v0  }
0x72: {  	s23 =	sand.u32 $0x30, s2;
	v30 =	vand.u32 $0x380, v30;
	v31 =	vand.u32 $0x380, v31;
	v35 =	vand.u32 $0xF, v34  }
0x73: {  	v28 =	vor.u32 s23, v28;
	v29 =	vor.u32 s23, v29;
	v34 =	vshll.u32 v34, $0x7  }
0x74: {  	s4 =	sshrl.u32 s2, $0x6;
	v27 =	vor.u32 s23, v27;
	v25 =	vor.u32 s23, v25;
	v26 =	vor.u32 s23, v26  }
0x75: {  	s26 =	sshll.u32 s4, $0x4;
	v24 =	vor.u32 s23, v24;
	v11 =	vor.u32 s23, v11;
	v35 =	vor.u32 s23, v35  }
0x76: {  	v36 =	vmov s26;
	v34 =	vand.u32 $0x380, v34;
	v38 =	vor.u32 s26, v0  }
0x77: {  	s4 =	sshll.u32 s4, $0x3;
	v42 =	vshll.u32 v28, $0x8;
	v39 =	vshll.u32 v29, $0x8;
	v43 =	vshll.u32 v27, $0x8  }
0x78: {  	v44 =	vshll.u32 v25, $0x8;
	v45 =	vmov s4;
	v46 =	vshll.u32 v26, $0x8  }
0x79: {  	v47 =	vshll.u32 v24, $0x8;
	v49 =	vshll.u32 v11, $0x8;
	v37 =	vshll.u32 v35, $0x8  }
0x7a: {  	v36 =	vshll.u32 v36, $0x3;
	v63 =	vand.u32 $0x7F, v38;
	v38 =	vand.u32 $0x3800, v42  }
0x7b: {  	[tilespmem:v14+s24+$0x0] =	vst.idx.msk $0xffff, v22;
	v39 =	vand.u32 $0x3800, v39;
	v50 =	vand.u32 $0x3800, v47;
	v14 =	vand.u32 $0x3800, v49  }
0x7c: {  	v37 =	vand.u32 $0x3800, v37;
	v36 =	vand.u32 $0x400, v36;
	v20 =	vor.u32 v38, v20  }
0x7d: {  	[tilespmem:v13+s24+$0x0] =	vst.idx.msk $0xffff, v21;
	v19 =	vor.u32 v39, v19;
	v38 =	vand.u32 $0x3800, v43;
	v39 =	vand.u32 $0x3800, v44  }
0x7e: {  	v13 =	vor.u32 v50, v31;
	v34 =	vor.u32 v37, v34;
	v32 =	vor.u32 v38, v32  }
0x7f: {  	v38 =	vshll.u32 v45, $0x7;
	v33 =	vor.u32 v39, v33;
	v20 =	vor.u32 v36, v20  }
0x80: {  	[tilespmem:v15+s24+$0x0] =	vst.idx.msk $0xffff, v23;
	v39 =	vand.u32 $0x3800, v46;
	v19 =	vor.u32 v36, v19;
	v20 =	vor.u32 v63, v20  }
0x81: {  	v53 =	vor.u32 v36, v63;
	v13 =	vor.u32 v36, v13;
	v19 =	vor.u32 v63, v19  }
0x82: {  	v34 =	vor.u32 v36, v34;
	v38 =	vor.u32 v2, v38;
	v13 =	vor.u32 v63, v13  }
0x83: {  	v30 =	vor.u32 v39, v30;
	v51 =	vor.u32 v36, v32;
	v34 =	vor.u32 v63, v34  }
0x84: {  	v52 =	vor.u32 v36, v33;
	v38 =	vor.u32 v4, v38;
	v21 =	vor.u32 v63, v51  }
0x85: {  	v14 =	vor.u32 v14, v53;
	v22 =	vor.u32 v63, v52;
	v55 =	vor.u32 v28, v38;
	v20 =	vld.idx.msk [tilespmem:v20+s6+$0x0], $0xffff  }
0x86: {  	v30 =	vor.u32 v36, v30;
	v56 =	vor.u32 v1, v14;
	v57 =	vor.u32 v29, v38;
	v58 =	vld.idx.msk [tilespmem:v19+s6+$0x0], $0xffff  }
0x87: {  	[tilespmem:v12+s24+$0x0] =	vst.idx.msk $0xffff, v16;
	v30 =	vor.u32 v63, v30;
	v63 =	vor.u32 v24, v38;
	v13 =	vld.idx.msk [tilespmem:v13+s6+$0x0], $0xffff  }
0x88: {  	[tilespmem:v10+s24+$0x0] =	vst.idx.msk $0xffff, v17;
	v48 =	vor.u32 v35, v38;
	v54 =	vld.idx.msk [tilespmem:v34+s6+$0x0], $0xffff  }
0x89: {  	[tilespmem:v9+s24+$0x0] =	vst.idx.msk $0xffff, v18;
	v10 =	vor.u32 v27, v38;
	v59 =	vld.idx.msk [tilespmem:v21+s6+$0x0], $0xffff  }
0x8a: {  	v9 =	vor.u32 v25, v38;
	v60 =	vld.idx.msk [tilespmem:v22+s6+$0x0], $0xffff;
	[tilespmem:v55+s24+$0x0] =	vst.idx.msk $0xffff, v20  }
0x8b: {  	v11 =	vor.u32 v11, v38;
	v12 =	vld.idx.msk [tilespmem:v56+s6+$0x0], $0xffff;
	[tilespmem:v57+s24+$0x0] =	vst.idx.msk $0xffff, v58  }
0x8c: {  	v61 =	vor.u32 v26, v38;
	v62 =	vld.idx.msk [tilespmem:v30+s6+$0x0], $0xffff;
	[tilespmem:v63+s24+$0x0] =	vst.idx.msk $0xffff, v13  }
0x8d: {  	[tilespmem:v48+s24+$0x0] =	vst.idx.msk $0xffff, v54  }
0x8e: {  	[tilespmem:v10+s24+$0x0] =	vst.idx.msk $0xffff, v59  }
0x8f: {  	[tilespmem:v9+s24+$0x0] =	vst.idx.msk $0xffff, v60  }
0x90: {  	s31 =	sshll.u32 s31, $0xB;
	[tilespmem:v11+s24+$0x0] =	vst.idx.msk $0xffff, v12  }
0x91: {  	s2 =	sadd.s32 s31, s5;
	[tilespmem:v61+s24+$0x0] =	vst.idx.msk $0xffff, v62  }
0x92: {  	[hbm4b:s2+s6] =	stream.linear.scatter [tilespmem:s24], [sflag:$0x3], $0x4000, $0x38;
	[tilespmem:$0x1F100] =	vst v63  }
.LBB2_6:
.Ltmp4:
0x93: {  	s2 =	sadd.s32 s9, s30;
	(pc) =	sbr.rel @p2 .LBB2_10-.Ltmp4, $4  }
0x94: {  	p3 =	sgt.u32 s2, $0xF41  }
0x95: {  	s2 =	sshll.u32 @!p3 s2, $0x8;
	s4 =	simm.s32 @!p3 $0x800  }
0x96: {  	s8 =	simm.s32 @!p3 $0x7A1400;
	s11 =	simm.s32 @!p3 $0x0;
	s2 =	sadd.s32 @!p3 s1, s2  }
0x97: {  	[tilespmem:s11], [sflag:$0x1] =	stream.strided.gather @!p3 [hbm4b:s2+s4], $0x4000, s8, s4, $0x38;
	[tilespmem:$0x1F100] =	vst v63  }
0x98: {  	s2 =	simm.s32 $0x0;
	s4 =	simm.s32 $0x1;
	s8 =	simm.s32 $0x2  }
0x99: {  	s14 =	simm.s32 $0x3;
	s11 =	simm.s32 $0x4;
	s23 =	simm.s32 $0x5;
	v9 =	vadd.s32 s2, v0;
	v10 =	vadd.s32 s4, v0;
	v11 =	vadd.s32 s8, v0  }
0x9a: {  	s26 =	simm.s32 $0x6;
	s30 =	simm.s32 $0x7;
	s31 =	simm.s32 $0x0;
	v12 =	vadd.s32 s14, v0;
	v13 =	vadd.s32 s11, v0;
	v14 =	vadd.s32 s23, v0  }
0x9b: {  	v17 =	vadd.s32 s26, v0;
	v22 =	vadd.s32 s30, v0;
	v24 =	vmov s31  }
0x9c: {  	v26 =	vor.u32 s31, v0;
	v9 =	vand.u32 $0xF, v9;
	v15 =	vshll.u32 v10, $0x7  }
0x9d: {  	v16 =	vshll.u32 v11, $0x7;
	v18 =	vshll.u32 v12, $0x7;
	v19 =	vshll.u32 v13, $0x7  }
0x9e: {  	v20 =	vshll.u32 v14, $0x7;
	v10 =	vand.u32 $0xF, v10;
	v11 =	vand.u32 $0xF, v11  }
0x9f: {  	v21 =	vshll.u32 v17, $0x7;
	v12 =	vand.u32 $0xF, v12;
	v13 =	vand.u32 $0xF, v13  }
0xa0: {  	s8 =	simm.s32 $0x0;
	v14 =	vand.u32 $0xF, v14;
	v17 =	vand.u32 $0xF, v17;
	v23 =	vand.u32 $0xF, v22  }
0xa1: {  	s26 =	simm.s32 $0xC;
	s30 =	simm.s32 $0xD;
	s31 =	simm.s32 $0xE;
	v22 =	vshll.u32 v22, $0x7;
	v24 =	vshll.u32 v24, $0x3;
	v28 =	vmov s8  }
0xa2: {  	v38 =	vadd.s32 s26, v0;
	v39 =	vadd.s32 s30, v0;
	v42 =	vadd.s32 s31, v0  }
0xa3: {  	v15 =	vand.u32 $0x380, v15;
	v16 =	vand.u32 $0x380, v16;
	v18 =	vand.u32 $0x380, v18  }
0xa4: {  	s2 =	sand.u32 $0x30, s2;
	v19 =	vand.u32 $0x380, v19;
	v20 =	vand.u32 $0x380, v20;
	v21 =	vand.u32 $0x380, v21  }
0xa5: {  	v10 =	vor.u32 s2, v10;
	v23 =	vor.u32 s2, v23;
	v11 =	vor.u32 s2, v11  }
0xa6: {  	v22 =	vand.u32 $0x380, v22;
	v24 =	vand.u32 $0x400, v24;
	v12 =	vor.u32 s2, v12  }
0xa7: {  	v13 =	vor.u32 s2, v13;
	v17 =	vor.u32 s2, v17;
	v28 =	vshll.u32 v28, $0x7  }
0xa8: {  	v9 =	vor.u32 s2, v9;
	v33 =	vshll.u32 v38, $0x7;
	v25 =	vshll.u32 v23, $0x8  }
0xa9: {  	v27 =	vshll.u32 v11, $0x8;
	v29 =	vshll.u32 v12, $0x8;
	v30 =	vshll.u32 v13, $0x8  }
0xaa: {  	v32 =	vshll.u32 v17, $0x8;
	v28 =	vor.u32 v2, v28;
	v25 =	vand.u32 $0x3800, v25  }
0xab: {  	v28 =	vor.u32 v4, v28;
	v27 =	vand.u32 $0x3800, v27;
	v29 =	vand.u32 $0x3800, v29  }
0xac: {  	v30 =	vand.u32 $0x3800, v30;
	v22 =	vor.u32 v25, v22;
	v25 =	vand.u32 $0x7F, v26  }
0xad: {  	v26 =	vor.u32 s2, v14;
	v14 =	vshll.u32 v10, $0x8;
	v34 =	vor.u32 v23, v28  }
0xae: {  	v23 =	vshll.u32 v9, $0x8;
	v16 =	vor.u32 v27, v16;
	v18 =	vor.u32 v29, v18  }
0xaf: {  	s11 =	simm.s32 $0x9;
	v19 =	vor.u32 v30, v19;
	v9 =	vor.u32 v9, v28;
	v36 =	vor.u32 v10, v28  }
0xb0: {  	v13 =	vor.u32 v13, v28;
	v10 =	vor.u32 v17, v28;
	v17 =	vadd.s32 s11, v0  }
0xb1: {  	v30 =	vshll.u32 v39, $0x7;
	v22 =	vor.u32 v24, v22;
	v31 =	vshll.u32 v26, $0x8  }
0xb2: {  	_ =	swait.ge [sflag:s18], $0x4000;
	v14 =	vand.u32 $0x3800, v14;
	v16 =	vor.u32 v24, v16;
	v18 =	vor.u32 v24, v18  }
0xb3: {  	[sflag:s18] =	ssyncset.done $0x0;
	v22 =	vor.u32 v25, v22;
	v31 =	vand.u32 $0x3800, v31;
	v14 =	vor.u32 v14, v15  }
0xb4: {  	[sflag:s18] =	ssyncadd.s32 $0xFFFFC000;
	s2 =	simm.s32 @!p1 $0x4;
	v15 =	vand.u32 $0x3800, v32;
	v18 =	vor.u32 v25, v18;
	v14 =	vor.u32 v24, v14  }
0xb5: {  	_ =	swait.ge @!p1 [sflag:s2], $0x4000;
	v15 =	vor.u32 v15, v21;
	v21 =	vand.u32 $0x3800, v23;
	v23 =	vor.u32 v25, v14  }
0xb6: {  	v19 =	vor.u32 v24, v19;
	v16 =	vor.u32 v25, v16;
	[sflag:s2] =	ssyncset.done @!p1 $0x0;
	v20 =	vor.u32 v31, v20  }
0xb7: {  	v19 =	vor.u32 v25, v19;
	[sflag:s2] =	ssyncadd.s32 @!p1 $0xFFFFC000;
	v20 =	vor.u32 v24, v20;
	v15 =	vor.u32 v24, v15  }
0xb8: {  	v27 =	vor.u32 v24, v25;
	v20 =	vor.u32 v25, v20;
	v24 =	vor.u32 v25, v15;
	v25 =	vld.idx.msk [tilespmem:v22+s28+$0x0], $0xffff  }
0xb9: {  	v40 =	vshll.u32 v17, $0x7;
	v31 =	vshll.u32 v42, $0x7;
	v21 =	vor.u32 v21, v27;
	v22 =	vld.idx.msk [tilespmem:v18+s28+$0x0], $0xffff  }
0xba: {  	s14 =	simm.s32 $0xA;
	s23 =	simm.s32 $0xB;
	v14 =	vor.u32 v12, v28;
	v12 =	vor.u32 v26, v28;
	v35 =	vor.u32 v1, v21;
	v37 =	vld.idx.msk [tilespmem:v23+s28+$0x0], $0xffff  }
0xbb: {  	s2 =	simm.s32 $0x8;
	v26 =	vadd.s32 s14, v0;
	v27 =	vadd.s32 s23, v0;
	v15 =	vor.u32 v11, v28;
	v23 =	vld.idx.msk [tilespmem:v16+s28+$0x0], $0xffff  }
0xbc: {  	v11 =	vadd.s32 s2, v0;
	v41 =	vshll.u32 v26, $0x7;
	v32 =	vshll.u32 v27, $0x7;
	v21 =	vld.idx.msk [tilespmem:v19+s28+$0x0], $0xffff  }
0xbd: {  	v28 =	vand.u32 $0xF, v17;
	v29 =	vand.u32 $0xF, v26;
	v27 =	vand.u32 $0xF, v27;
	v16 =	vld.idx.msk [tilespmem:v20+s28+$0x0], $0xffff  }
0xbe: {  	v26 =	vand.u32 $0xF, v39;
	v11 =	vand.u32 $0xF, v11;
	v19 =	vand.u32 $0x380, v41;
	v17 =	vld.idx.msk [tilespmem:v24+s28+$0x0], $0xffff;
	[tilespmem:v34+s29+$0x0] =	vst.idx.msk $0xffff, v25  }
0xbf: {  	s4 =	simm.s32 $0x10;
	s8 =	simm.s32 $0xF;
	v20 =	vand.u32 $0x380, v40;
	v24 =	vand.u32 $0xF, v42;
	v18 =	vld.idx.msk [tilespmem:v35+s28+$0x0], $0xffff;
	v25 =	vand.u32 $0xF, v38;
	[tilespmem:v36+s29+$0x0] =	vst.idx.msk $0xffff, v37  }
.LBB2_8:
0xc0: {  	p1 =	slt.u32 s4, $0x3F8;
	v32 =	vand.u32 $0x380, v32;
	v33 =	vand.u32 $0x380, v33;
	v34 =	vadd.s32 s8, v0;
	[tilespmem:v15+s29+$0x0] =	vst.idx.msk $0xffff, v23  }
0xc1: {  	s8 =	sshrl.u32 s2, $0x6;
	s11 =	sand.u32 $0x30, s2;
	v15 =	vand.u32 $0x380, v30;
	v23 =	vand.u32 $0x380, v31;
	s2 =	smov.u32 s4;
	v30 =	vand.u32 $0xF, v34;
	[tilespmem:v14+s29+$0x0] =	vst.idx.msk $0xffff, v22  }
0xc2: {  	s14 =	sshll.u32 s8, $0x4;
	v14 =	vor.u32 s11, v28;
	v22 =	vor.u32 s11, v29;
	v28 =	vor.u32 s11, v30;
	[tilespmem:v13+s29+$0x0] =	vst.idx.msk $0xffff, v21  }
0xc3: {  	v29 =	vshll.u32 v34, $0x7;
	v13 =	vmov s14;
	v21 =	vshll.u32 v28, $0x8;
	[tilespmem:v12+s29+$0x0] =	vst.idx.msk $0xffff, v16  }
0xc4: {  	v12 =	vshll.u32 v13, $0x3;
	v16 =	vand.u32 $0x380, v29;
	v13 =	vand.u32 $0x3800, v21;
	[tilespmem:v10+s29+$0x0] =	vst.idx.msk $0xffff, v17  }
0xc5: {  	v10 =	vor.u32 s14, v0;
	v12 =	vand.u32 $0x400, v12;
	v13 =	vor.u32 v13, v16;
	[tilespmem:v9+s29+$0x0] =	vst.idx.msk $0xffff, v18  }
0xc6: {  	v9 =	vand.u32 $0x7F, v10;
	v10 =	vor.u32 s11, v27;
	v13 =	vor.u32 v12, v13  }
0xc7: {  	v17 =	vor.u32 s11, v26;
	v16 =	vor.u32 s11, v25;
	v13 =	vor.u32 v9, v13  }
0xc8: {  	s8 =	sshll.u32 s8, $0x3;
	v24 =	vor.u32 s11, v24;
	v21 =	vshll.u32 v22, $0x8;
	v18 =	vshll.u32 v14, $0x8  }
0xc9: {  	v25 =	vmov s8;
	v26 =	vshll.u32 v10, $0x8;
	v27 =	vshll.u32 v16, $0x8  }
0xca: {  	v30 =	vshll.u32 v24, $0x8;
	v29 =	vshll.u32 v17, $0x8;
	v25 =	vshll.u32 v25, $0x7  }
0xcb: {  	v11 =	vor.u32 s11, v11;
	v18 =	vand.u32 $0x3800, v18;
	v25 =	vor.u32 v2, v25  }
0xcc: {  	v21 =	vand.u32 $0x3800, v21;
	v26 =	vand.u32 $0x3800, v26;
	v25 =	vor.u32 v4, v25;
	v13 =	vld.idx.msk [tilespmem:v13+s28+$0x0], $0xffff  }
0xcd: {  	v29 =	vand.u32 $0x3800, v29;
	v27 =	vand.u32 $0x3800, v27;
	v28 =	vor.u32 v28, v25  }
0xce: {  	v31 =	vshll.u32 v11, $0x8;
	v18 =	vor.u32 v18, v20;
	v20 =	vand.u32 $0x3800, v30  }
0xcf: {  	v19 =	vor.u32 v21, v19;
	v21 =	vor.u32 v26, v32;
	v26 =	vor.u32 v27, v33  }
0xd0: {  	v15 =	vor.u32 v29, v15;
	v27 =	vor.u32 v12, v9;
	v20 =	vor.u32 v20, v23  }
0xd1: {  	v19 =	vor.u32 v12, v19;
	v23 =	vand.u32 $0x3800, v31;
	v18 =	vor.u32 v12, v18  }
0xd2: {  	v21 =	vor.u32 v12, v21;
	v26 =	vor.u32 v12, v26;
	[tilespmem:v28+s29+$0x0] =	vst.idx.msk $0xffff, v13  }
0xd3: {  	v15 =	vor.u32 v12, v15;
	v12 =	vor.u32 v12, v20;
	v13 =	vor.u32 v23, v27  }
0xd4: {  	v19 =	vor.u32 v9, v19;
	v18 =	vor.u32 v9, v18;
	v20 =	vor.u32 v9, v21  }
0xd5: {  	v21 =	vor.u32 v9, v26;
	v26 =	vor.u32 v9, v15;
	v34 =	vor.u32 v9, v12  }
0xd6: {  	v36 =	vor.u32 v14, v25;
	v9 =	vor.u32 v11, v25;
	v35 =	vor.u32 v1, v13  }
0xd7: {  	v14 =	vor.u32 v10, v25;
	v15 =	vor.u32 v22, v25;
	v13 =	vor.u32 v16, v25  }
0xd8: {  	s8 =	sadd.s32 $0x1, s4;
	s11 =	sadd.s32 $0x2, s4;
	v10 =	vor.u32 v24, v25;
	v11 =	vadd.s32 s4, v0;
	v12 =	vor.u32 v17, v25  }
0xd9: {  	s14 =	sadd.s32 $0x5, s4;
	v17 =	vadd.s32 s11, v0;
	s11 =	sadd.s32 $0x4, s4;
	v11 =	vand.u32 $0xF, v11;
	v16 =	vadd.s32 s8, v0;
	s8 =	sadd.s32 $0x3, s4;
	v37 =	vld.idx.msk [tilespmem:v18+s28+$0x0], $0xffff  }
0xda: {  	v38 =	vadd.s32 s14, v0;
	v24 =	vadd.s32 s11, v0;
	v18 =	vadd.s32 s8, v0;
	s8 =	sadd.s32 $0x6, s4;
	v23 =	vld.idx.msk [tilespmem:v19+s28+$0x0], $0xffff  }
.Ltmp5:
0xdb: {  	v39 =	vshll.u32 v17, $0x7;
	v19 =	vshll.u32 v16, $0x7;
	v40 =	vadd.s32 s8, v0;
	v22 =	vld.idx.msk [tilespmem:v20+s28+$0x0], $0xffff;
	(pc) =	sbr.rel @p1 .LBB2_8-.Ltmp5, $4  }
0xdc: {  	v30 =	vshll.u32 v38, $0x7;
	v33 =	vshll.u32 v24, $0x7;
	v32 =	vshll.u32 v18, $0x7;
	v21 =	vld.idx.msk [tilespmem:v21+s28+$0x0], $0xffff  }
0xdd: {  	v29 =	vand.u32 $0xF, v17;
	v28 =	vand.u32 $0xF, v16;
	v31 =	vshll.u32 v40, $0x7;
	v16 =	vld.idx.msk [tilespmem:v26+s28+$0x0], $0xffff  }
0xde: {  	v25 =	vand.u32 $0xF, v24;
	v27 =	vand.u32 $0xF, v18;
	v26 =	vand.u32 $0xF, v38;
	v17 =	vld.idx.msk [tilespmem:v34+s28+$0x0], $0xffff  }
0xdf: {  	s4 =	sadd.s32 $0x8, s4;
	s8 =	sadd.s32 $0x7, s2;
	v20 =	vand.u32 $0x380, v19;
	v19 =	vand.u32 $0x380, v39;
	v24 =	vand.u32 $0xF, v40;
	v18 =	vld.idx.msk [tilespmem:v35+s28+$0x0], $0xffff;
	[tilespmem:v36+s29+$0x0] =	vst.idx.msk $0xffff, v37  }
0xe0: {  	v32 =	vand.u32 $0x380, v32;
	v33 =	vand.u32 $0x380, v33;
	v34 =	vadd.s32 s8, v0  }
0xe1: {  	s26 =	sand.u32 $0x30, s2;
	v30 =	vand.u32 $0x380, v30;
	v31 =	vand.u32 $0x380, v31;
	v35 =	vand.u32 $0xF, v34  }
0xe2: {  	v28 =	vor.u32 s26, v28;
	v29 =	vor.u32 s26, v29;
	v34 =	vshll.u32 v34, $0x7  }
0xe3: {  	s4 =	sshrl.u32 s2, $0x6;
	v27 =	vor.u32 s26, v27;
	v25 =	vor.u32 s26, v25;
	v26 =	vor.u32 s26, v26  }
0xe4: {  	s30 =	sshll.u32 s4, $0x4;
	v24 =	vor.u32 s26, v24;
	v11 =	vor.u32 s26, v11;
	v35 =	vor.u32 s26, v35  }
0xe5: {  	v36 =	vmov s30;
	v34 =	vand.u32 $0x380, v34;
	v38 =	vor.u32 s30, v0  }
0xe6: {  	s4 =	sshll.u32 s4, $0x3;
	v42 =	vshll.u32 v28, $0x8;
	v39 =	vshll.u32 v29, $0x8;
	v43 =	vshll.u32 v27, $0x8  }
0xe7: {  	v44 =	vshll.u32 v25, $0x8;
	v45 =	vmov s4;
	v46 =	vshll.u32 v26, $0x8  }
0xe8: {  	v47 =	vshll.u32 v24, $0x8;
	v49 =	vshll.u32 v11, $0x8;
	v37 =	vshll.u32 v35, $0x8  }
0xe9: {  	v36 =	vshll.u32 v36, $0x3;
	v63 =	vand.u32 $0x7F, v38;
	v38 =	vand.u32 $0x3800, v42  }
0xea: {  	[tilespmem:v14+s29+$0x0] =	vst.idx.msk $0xffff, v22;
	v39 =	vand.u32 $0x3800, v39;
	v50 =	vand.u32 $0x3800, v47;
	v14 =	vand.u32 $0x3800, v49  }
0xeb: {  	v37 =	vand.u32 $0x3800, v37;
	v36 =	vand.u32 $0x400, v36;
	v20 =	vor.u32 v38, v20  }
0xec: {  	[tilespmem:v13+s29+$0x0] =	vst.idx.msk $0xffff, v21;
	v19 =	vor.u32 v39, v19;
	v38 =	vand.u32 $0x3800, v43;
	v39 =	vand.u32 $0x3800, v44  }
0xed: {  	v13 =	vor.u32 v50, v31;
	v34 =	vor.u32 v37, v34;
	v32 =	vor.u32 v38, v32  }
0xee: {  	v38 =	vshll.u32 v45, $0x7;
	v33 =	vor.u32 v39, v33;
	v20 =	vor.u32 v36, v20  }
0xef: {  	[tilespmem:v15+s29+$0x0] =	vst.idx.msk $0xffff, v23;
	v39 =	vand.u32 $0x3800, v46;
	v19 =	vor.u32 v36, v19;
	v20 =	vor.u32 v63, v20  }
0xf0: {  	v53 =	vor.u32 v36, v63;
	v13 =	vor.u32 v36, v13;
	v19 =	vor.u32 v63, v19  }
0xf1: {  	v34 =	vor.u32 v36, v34;
	v38 =	vor.u32 v2, v38;
	v13 =	vor.u32 v63, v13  }
0xf2: {  	v30 =	vor.u32 v39, v30;
	v51 =	vor.u32 v36, v32;
	v34 =	vor.u32 v63, v34  }
0xf3: {  	v52 =	vor.u32 v36, v33;
	v38 =	vor.u32 v4, v38;
	v21 =	vor.u32 v63, v51  }
0xf4: {  	v14 =	vor.u32 v14, v53;
	v22 =	vor.u32 v63, v52;
	v55 =	vor.u32 v28, v38;
	v20 =	vld.idx.msk [tilespmem:v20+s28+$0x0], $0xffff  }
0xf5: {  	v30 =	vor.u32 v36, v30;
	v56 =	vor.u32 v1, v14;
	v57 =	vor.u32 v29, v38;
	v58 =	vld.idx.msk [tilespmem:v19+s28+$0x0], $0xffff  }
0xf6: {  	[tilespmem:v12+s29+$0x0] =	vst.idx.msk $0xffff, v16;
	v30 =	vor.u32 v63, v30;
	v63 =	vor.u32 v24, v38;
	v13 =	vld.idx.msk [tilespmem:v13+s28+$0x0], $0xffff  }
0xf7: {  	[tilespmem:v10+s29+$0x0] =	vst.idx.msk $0xffff, v17;
	v48 =	vor.u32 v35, v38;
	v54 =	vld.idx.msk [tilespmem:v34+s28+$0x0], $0xffff  }
0xf8: {  	[tilespmem:v9+s29+$0x0] =	vst.idx.msk $0xffff, v18;
	v10 =	vor.u32 v27, v38;
	v59 =	vld.idx.msk [tilespmem:v21+s28+$0x0], $0xffff  }
0xf9: {  	v9 =	vor.u32 v25, v38;
	v60 =	vld.idx.msk [tilespmem:v22+s28+$0x0], $0xffff;
	[tilespmem:v55+s29+$0x0] =	vst.idx.msk $0xffff, v20  }
0xfa: {  	v11 =	vor.u32 v11, v38;
	v12 =	vld.idx.msk [tilespmem:v56+s28+$0x0], $0xffff;
	[tilespmem:v57+s29+$0x0] =	vst.idx.msk $0xffff, v58  }
0xfb: {  	v61 =	vor.u32 v26, v38;
	v62 =	vld.idx.msk [tilespmem:v30+s28+$0x0], $0xffff;
	[tilespmem:v63+s29+$0x0] =	vst.idx.msk $0xffff, v13  }
0xfc: {  	[tilespmem:v48+s29+$0x0] =	vst.idx.msk $0xffff, v54  }
.Ltmp6:
0xfd: {  	[tilespmem:v10+s29+$0x0] =	vst.idx.msk $0xffff, v59;
	(pc) =	sbr.rel .LBB2_10-.Ltmp6, $4  }
0xfe: {  	[tilespmem:v9+s29+$0x0] =	vst.idx.msk $0xffff, v60  }
0xff: {  	s31 =	sshll.u32 s25, $0xB;
	[tilespmem:v11+s29+$0x0] =	vst.idx.msk $0xffff, v12  }
0x100: {  	s2 =	sadd.s32 s31, s5;
	[tilespmem:v61+s29+$0x0] =	vst.idx.msk $0xffff, v62  }
0x101: {  	[hbm4b:s2+s6] =	stream.linear.scatter [tilespmem:s29], [sflag:$0x4], $0x4000, $0x38;
	[tilespmem:$0x1F100] =	vst v63  }
.LBB2_11:
0x102: {  	s2 =	simm.s32 $0x3  }
0x103: {  	_ =	swait.ge [sflag:s2], $0x4000  }
.Ltmp7:
0x104: {  	[sflag:s2] =	ssyncset.done $0x0;
	(pc) =	sbr.rel @p0 .LBB2_15-.Ltmp7, $4  }
0x105: {  	s31 =	simm.s32 $0x4;
	[sflag:s2] =	ssyncadd.s32 $0xFFFFC000  }
0x106: {  	_ =	swait.ge [sflag:s31], $0x4000  }
0x107: {  	[sflag:s31] =	ssyncset.done $0x0  }
0x108: {  	[sflag:s31] =	ssyncadd.s32 $0xFFFFC000  }
0x109: {  	s11 =	simm.s32 $0x0;
	s2 =	rddreg [dreg:$0x2]  }
0x10a: {  	[tilespmem:s11], [sflag:$0xA] =	stream.linear.gather [hbm4b:s2+s11], $0x400, $0x38;
	[tilespmem:$0x1F100] =	vst v63  }
0x10b: {  	s23 =	rddreg [dreg:$0xa];
	s4 =	simm.s32 $0x800  }
0x10c: {  	[tilespmem:s4], [sflag:$0xA] =	stream.linear.gather [hbm4b:s23+s11], $0x400, $0x38;
	[tilespmem:$0x1F100] =	vst v63  }
0x10d: {  	s25 =	rddreg [dreg:$0xb];
	s26 =	simm.s32 $0x1000  }
0x10e: {  	[tilespmem:s26], [sflag:$0xA] =	stream.linear.gather [hbm4b:s25+s11], $0x400, $0x38;
	[tilespmem:$0x1F100] =	vst v63  }
0x10f: {  	s30 =	rddreg [dreg:$0xc];
	s31 =	simm.s32 $0x1800  }
0x110: {  	[tilespmem:s31], [sflag:$0xA] =	stream.linear.gather [hbm4b:s30+s11], $0x400, $0x38;
	[tilespmem:$0x1F100] =	vst v63  }
0x111: {  	s8 =	rddreg [dreg:$0xd];
	s13 =	simm.s32 $0x2000  }
0x112: {  	[tilespmem:s13], [sflag:$0xA] =	stream.linear.gather [hbm4b:s8+s11], $0x400, $0x38;
	[tilespmem:$0x1F100] =	vst v63  }
0x113: {  	s14 =	rddreg [dreg:$0xe];
	s15 =	simm.s32 $0x2800  }
0x114: {  	[tilespmem:s15], [sflag:$0xA] =	stream.linear.gather [hbm4b:s14+s11], $0x400, $0x38;
	[tilespmem:$0x1F100] =	vst v63  }
0x115: {  	s18 =	rddreg [dreg:$0xf];
	s23 =	simm.s32 $0x3000  }
0x116: {  	[tilespmem:s23], [sflag:$0xA] =	stream.linear.gather [hbm4b:s18+s11], $0x400, $0x38;
	[tilespmem:$0x1F100] =	vst v63  }
0x117: {  	s25 =	rddreg [dreg:$0x10];
	s26 =	simm.s32 $0x3800;
	s8 =	simm.s32 $0xA  }
0x118: {  	[tilespmem:s26], [sflag:$0xA] =	stream.linear.gather [hbm4b:s25+s11], $0x400, $0x38;
	[tilespmem:$0x1F100] =	vst v63  }
0x119: {  	_ =	swait.ge [sflag:s8], $0x2000  }
0x11a: {  	s30 =	sand.u32 $0x3800, s11;
	s31 =	sand.u32 $0x380, s11;
	[sflag:s8] =	ssyncset.done $0x0  }
0x11b: {  	s13 =	sor.u32 s31, s30;
	[sflag:s8] =	ssyncadd.s32 $0xFFFFE000  }
0x11c: {  	v10 =	vor.u32 s11, v3;
	v9 =	vld [tilespmem:s13+$0x0];
	_ =	sdelay $0x4  }
0x11d: {  	[tilespmem:v10+s24+$0x0] =	vst.idx.msk $0xffff, v9  }
0x11e: {  	v10 =	vor.u32 s11, v5;
	v9 =	vld [tilespmem:s13+$0x10];
	_ =	sdelay $0x4  }
0x11f: {  	[tilespmem:v10+s24+$0x0] =	vst.idx.msk $0xffff, v9  }
0x120: {  	v10 =	vor.u32 s11, v6;
	v9 =	vld [tilespmem:s13+$0x20];
	_ =	sdelay $0x4  }
0x121: {  	[tilespmem:v10+s24+$0x0] =	vst.idx.msk $0xffff, v9  }
0x122: {  	v10 =	vor.u32 s11, v7;
	v9 =	vld [tilespmem:s13+$0x30];
	_ =	sdelay $0x2  }
0x123: {  	s2 =	simm.s32 $0x1;
	s4 =	simm.s32 $0x80;
	s8 =	simm.s32 $0x100  }
0x124: {  	s14 =	sand.u32 $0x380, s4;
	s11 =	simm.s32 $0x2;
	s13 =	sand.u32 $0x3800, s8  }
.LBB2_13:
0x125: {  	p1 =	sne.s32 s11, $0x3F;
	s13 =	sor.u32 s14, s13;
	[tilespmem:v10+s24+$0x0] =	vst.idx.msk $0xffff, v9  }
0x126: {  	v10 =	vor.u32 s2, v3;
	v9 =	vld [tilespmem:s13+$0x0];
	_ =	sdelay $0x4  }
0x127: {  	[tilespmem:v10+s24+$0x0] =	vst.idx.msk $0xffff, v9  }
0x128: {  	v10 =	vor.u32 s2, v5;
	v9 =	vld [tilespmem:s13+$0x10];
	_ =	sdelay $0x4  }
0x129: {  	[tilespmem:v10+s24+$0x0] =	vst.idx.msk $0xffff, v9  }
0x12a: {  	v10 =	vor.u32 s2, v6;
	v9 =	vld [tilespmem:s13+$0x20];
	_ =	sdelay $0x4  }
0x12b: {  	[tilespmem:v10+s24+$0x0] =	vst.idx.msk $0xffff, v9  }
.Ltmp8:
0x12c: {  	v10 =	vor.u32 s2, v7;
	s2 =	smov.u32 s11;
	v9 =	vld [tilespmem:s13+$0x30];
	(pc) =	sbr.rel @p1 .LBB2_13-.Ltmp8, $3  }
0x12d: {  	_ =	sdelay $0x1  }
0x12e: {  	s4 =	sadd.s32 $0x80, s4;
	s8 =	sadd.s32 $0x100, s8  }
0x12f: {  	s14 =	sand.u32 $0x380, s4;
	s11 =	sadd.s32 $0x1, s11;
	s13 =	sand.u32 $0x3800, s8  }
0x130: {  	_ =	sdelay $0x3  }
0x131: {  	s4 =	sor.u32 s14, s13;
	[tilespmem:v10+s24+$0x0] =	vst.idx.msk $0xffff, v9  }
0x132: {  	v10 =	vor.u32 s2, v3;
	v9 =	vld [tilespmem:s4+$0x0];
	_ =	sdelay $0x4  }
0x133: {  	[tilespmem:v10+s24+$0x0] =	vst.idx.msk $0xffff, v9  }
0x134: {  	v10 =	vor.u32 s2, v5;
	v9 =	vld [tilespmem:s4+$0x10];
	_ =	sdelay $0x4  }
0x135: {  	[tilespmem:v10+s24+$0x0] =	vst.idx.msk $0xffff, v9  }
0x136: {  	v10 =	vor.u32 s2, v6;
	v9 =	vld [tilespmem:s4+$0x20];
	_ =	sdelay $0x4  }
0x137: {  	[tilespmem:v10+s24+$0x0] =	vst.idx.msk $0xffff, v9  }
0x138: {  	v10 =	vor.u32 s2, v7;
	v9 =	vld [tilespmem:s4+$0x30];
	_ =	sdelay $0x4  }
0x139: {  	s30 =	sadd.s32 $0x7A1000, s5;
	s31 =	simm.s32 $0xA;
	[tilespmem:v10+s24+$0x0] =	vst.idx.msk $0xffff, v9  }
0x13a: {  	[hbm4b:s30+s6] =	stream.linear.scatter [tilespmem:s24], [sflag:$0xA], $0x1000, $0x38;
	[tilespmem:$0x1F100] =	vst v63  }
0x13b: {  	_ =	swait.ge [sflag:s31], $0x1000  }
0x13c: {  	[sflag:s31] =	ssyncset.done $0x0  }
0x13d: {  	[sflag:s31] =	ssyncadd.s32 $0xFFFFF000  }
.LBB2_15:
0x13e: {  	[bflag:$0x0] =	sbarrier.arrive $0xFFFF  }
0x13f: {  	s2 =	simm.s32 $0x100000;
	_ =	strace $0x80000048  }
0x140: {  	s13 =	simm.s32 $0x0;
	[smem:s2], [sflag:$0x0] =	smem.add.s32 $0x0  }
0x141: {  	_ =	swait.done [sflag:s13]  }
0x142: {  	s11 =	ssyncread [sflag:$0x0];
	_ =	sdelay $0x1  }
0x143: {  	s14 =	stileid.u32;
	s4 =	rddreg [dreg:$0x7]  }
0x144: {  	s8 =	rddreg [dreg:$0x11];
	s2 =	sadd.s32 s4, s11;
	s4 =	sshll.u32 s14, $0x6  }
0x145: {  	s4 =	sor.u32 s8, s4;
	s2 =	sshll.u32 s2, $0x11  }
0x146: {  	[sflag:s13] =	ssyncset.s32 $0x0;
	s2 =	sor.u32 s2, s4  }
0x147: {  	[sflag:s13] =	ssyncset.done $0x0;
	s2 =	sor.u32 $0x1C09, s2  }
0x148: {  	s15 =	simm.s32 $0x9;
	[sflag:s2] =	ssyncadd.remote.s32 $0x1  }
0x149: {  	_ =	swait.ge [sflag:s15], $0x1  }
0x14a: {  	[sflag:s15] =	ssyncset.done $0x0  }
0x14b: {  	[sflag:s15] =	ssyncadd.s32 $0xFFFFFFFF  }
0x14c: {  	s23 =	simm.s32 $0x1000;
	_ =	strace $0x90000048  }
0x14d: {  	s25 =	simm.s32 $0x10000;
	s26 =	simm.s32 $0xA;
	s18 =	rddreg [dreg:$0x8]  }
0x14e: {  	[tilespmem:s25], [sflag:$0xA] =	stream.strided.gather [hbm4b:s18+s23], $0x3000, s16, s23, $0x38;
	[tilespmem:$0x1F100] =	vst v63  }
0x14f: {  	_ =	swait.ge [sflag:s26], $0x3000  }
0x150: {  	[sflag:s26] =	ssyncset.done $0x0  }
0x151: {  	[sflag:s26] =	ssyncadd.s32 $0xFFFFD000  }
0x152: {  	v9 =	vld [tilespmem:$0x10000]  }
0x153: {  	v10 =	vld [tilespmem:$0x10010]  }
0x154: {  	v11 =	vld [tilespmem:$0x10020]  }
0x155: {  	v12 =	vld [tilespmem:$0x10030]  }
0x156: {  	v13 =	vld [tilespmem:$0x10040]  }
0x157: {  	v14 =	vld [tilespmem:$0x10050];
	v9 =	vshra.s32 v9, $0x1  }
0x158: {  	[tilespmem:$0x13000] =	vst v9;
	v9 =	vshra.s32 v10, $0x1;
	v10 =	vld [tilespmem:$0x10060]  }
0x159: {  	[tilespmem:$0x13010] =	vst v9;
	v9 =	vshra.s32 v11, $0x1;
	v11 =	vld [tilespmem:$0x10070]  }
0x15a: {  	[tilespmem:$0x13020] =	vst v9;
	v9 =	vshra.s32 v12, $0x1  }
0x15b: {  	[tilespmem:$0x13030] =	vst v9;
	v9 =	vshra.s32 v13, $0x1  }
0x15c: {  	[tilespmem:$0x13040] =	vst v9;
	v9 =	vshra.s32 v14, $0x1  }
0x15d: {  	[tilespmem:$0x13050] =	vst v9;
	v9 =	vshra.s32 v10, $0x1  }
0x15e: {  	[tilespmem:$0x13060] =	vst v9;
	v9 =	vshra.s32 v11, $0x1  }
0x15f: {  	s30 =	simm.s32 $0x80;
	s31 =	simm.s32 $0x13000;
	[tilespmem:$0x13070] =	vst v9  }
0x160: {  	[tilespmem:s20], [sflag:$0x5] =	stream.indirect.gather [hbm4b:s5+s30], $0x80, s31, s30, $0xb8;
	[tilespmem:$0x1F100] =	vst v63  }
.LBB2_16:
0x161: {  	s25 =	sshllo.u32 s13, $0x1;
	s2 =	sshll.u32 s13, $0x8  }
0x162: {  	_ =	swait.ge [sflag:s22], $0x4000;
	s4 =	sshll.u32 s25, $0xA;
	s2 =	sand.u32 $0x3000, s2  }
0x163: {  	s8 =	sshll.u32 s13, $0x6;
	s4 =	sand.u32 $0xC00, s4;
	s30 =	sor.u32 $0x10000, s2  }
0x164: {  	[sflag:s22] =	ssyncset.done $0x0;
	s31 =	sand.u32 $0x380, s8;
	s2 =	sor.u32 s4, s30  }
0x165: {  	[sflag:s22] =	ssyncadd.s32 $0xFFFFC000;
	s2 =	sor.u32 s31, s2  }
0x166: {  	v9 =	vld [tilespmem:s2+$0x0];
	_ =	sdelay $0x4  }
0x167: {  	v9 =	vshra.s32 v9, $0x1  }
0x168: {  	[tilespmem:$0x13080] =	vst v9  }
0x169: {  	v9 =	vld [tilespmem:s2+$0x10];
	_ =	sdelay $0x4  }
0x16a: {  	v9 =	vshra.s32 v9, $0x1  }
0x16b: {  	[tilespmem:$0x13090] =	vst v9  }
0x16c: {  	v9 =	vld [tilespmem:s2+$0x20];
	_ =	sdelay $0x4  }
0x16d: {  	v9 =	vshra.s32 v9, $0x1  }
0x16e: {  	[tilespmem:$0x130A0] =	vst v9  }
0x16f: {  	v9 =	vld [tilespmem:s2+$0x30];
	_ =	sdelay $0x4  }
0x170: {  	v9 =	vshra.s32 v9, $0x1  }
0x171: {  	[tilespmem:$0x130B0] =	vst v9  }
0x172: {  	v9 =	vld [tilespmem:s2+$0x40];
	_ =	sdelay $0x4  }
0x173: {  	v9 =	vshra.s32 v9, $0x1  }
0x174: {  	[tilespmem:$0x130C0] =	vst v9  }
0x175: {  	v9 =	vld [tilespmem:s2+$0x50];
	_ =	sdelay $0x4  }
0x176: {  	v9 =	vshra.s32 v9, $0x1  }
0x177: {  	[tilespmem:$0x130D0] =	vst v9  }
0x178: {  	v9 =	vld [tilespmem:s2+$0x60];
	_ =	sdelay $0x4  }
0x179: {  	v9 =	vshra.s32 v9, $0x1  }
0x17a: {  	[tilespmem:$0x130E0] =	vst v9  }
0x17b: {  	v9 =	vld [tilespmem:s2+$0x70];
	_ =	sdelay $0x3  }
0x17c: {  	s8 =	sshll.u32 s13, $0x1  }
0x17d: {  	s18 =	simm.s32 $0x80;
	p1 =	seq.s32 s13, $0x0;
	s15 =	sand.u32 $0x2, s8;
	v9 =	vshra.s32 v9, $0x1  }
0x17e: {  	s23 =	simm.s32 $0x13080;
	s26 =	sshll.u32 s15, $0xA;
	s2 =	simm.s32 @!p1 $0x7;
	[tilespmem:$0x130F0] =	vst v9  }
0x17f: {  	[tilespmem:s17], [sflag:$0x6] =	stream.indirect.gather [hbm4b:s5+s18], $0x80, s23, s18, $0xb8;
	[tilespmem:$0x1F100] =	vst v63  }
0x180: {  	s4 =	sadd.s32 s26, s30;
	_ =	swait.ge @!p1 [sflag:s2], $0x2000  }
0x181: {  	s4 =	sadd.s32 s31, s4;
	[sflag:s2] =	ssyncset.done @!p1 $0x0  }
0x182: {  	s11 =	simm.s32 $0x0;
	v9 =	vmov s4;
	[sflag:s2] =	ssyncadd.s32 @!p1 $0xFFFFE000;
	s2 =	sshrl.u32 s13, $0x1  }
.LBB2_17:
0x183: {  	s14 =	simm.s32 $0x0;
	s18 =	simm.s32 $0x1;
	s26 =	simm.s32 $0x2  }
0x184: {  	s23 =	simm.s32 $0x4;
	v13 =	vadd.s32 s14, v0;
	v14 =	vadd.s32 s18, v0;
	s18 =	simm.s32 $0x3;
	v15 =	vadd.s32 s26, v0  }
0x185: {  	s26 =	simm.s32 $0x5;
	v17 =	vadd.s32 s23, v0;
	v13 =	vand.u32 $0xF, v13;
	v16 =	vadd.s32 s18, v0  }
0x186: {  	s23 =	simm.s32 $0x6;
	v18 =	vadd.s32 s26, v0;
	v19 =	vshll.u32 v14, $0x7;
	v20 =	vshll.u32 v15, $0x7  }
0x187: {  	v21 =	vadd.s32 s23, v0;
	v23 =	vshll.u32 v17, $0x7;
	v14 =	vand.u32 $0xF, v14  }
0x188: {  	v15 =	vand.u32 $0xF, v15;
	v17 =	vand.u32 $0xF, v17;
	v22 =	vshll.u32 v16, $0x7  }
0x189: {  	s4 =	sshll.u32 s11, $0x4;
	v24 =	vshll.u32 v18, $0x7;
	v25 =	vshll.u32 v21, $0x7;
	v16 =	vand.u32 $0xF, v16  }
0x18a: {  	v10 =	vld.idx.msk [tilespmem:v9+s4+$0x0 ss:$0x1], $0xffff;
	s26 =	simm.s32 $0x7;
	v18 =	vand.u32 $0xF, v18;
	v19 =	vand.u32 $0x380, v19;
	v20 =	vand.u32 $0x380, v20  }
0x18b: {  	s18 =	sand.u32 $0x30, s14;
	v21 =	vand.u32 $0xF, v21;
	v23 =	vand.u32 $0x380, v23;
	v26 =	vadd.s32 s26, v0  }
0x18c: {  	v14 =	vor.u32 s18, v14;
	v15 =	vor.u32 s18, v15;
	v17 =	vor.u32 s18, v17  }
0x18d: {  	v13 =	vor.u32 s18, v13;
	v22 =	vand.u32 $0x380, v22;
	v24 =	vand.u32 $0x380, v24  }
0x18e: {  	v25 =	vand.u32 $0x380, v25;
	v27 =	vand.u32 $0xF, v26;
	v16 =	vor.u32 s18, v16  }
0x18f: {  	v18 =	vor.u32 s18, v18;
	v11 =	vshll.u32 v10, $0x6;
	v10 =	vor.u32 s4, v0  }
0x190: {  	v21 =	vor.u32 s18, v21;
	v11 =	vand.u32 $0x40, v11;
	v12 =	vshll.u32 v10, $0x7  }
0x191: {  	v26 =	vshll.u32 v26, $0x7;
	v27 =	vor.u32 s18, v27;
	v12 =	vor.u32 v12, v11  }
0x192: {  	v26 =	vand.u32 $0x380, v26;
	v11 =	vor.u32 s4, v8;
	v28 =	vor.u32 v27, v12  }
0x193: {  	v29 =	vor.u32 v14, v12;
	v30 =	vor.u32 v15, v12;
	v31 =	vor.u32 v16, v12  }
0x194: {  	v32 =	vor.u32 v17, v12;
	v27 =	vshll.u32 v27, $0x7;
	v33 =	vor.u32 v18, v12  }
0x195: {  	v34 =	vor.u32 v13, v12;
	v35 =	vor.u32 v21, v12;
	v14 =	vshll.u32 v14, $0x7  }
0x196: {  	v15 =	vshll.u32 v15, $0x7;
	v16 =	vshll.u32 v16, $0x7;
	v17 =	vshll.u32 v17, $0x7  }
0x197: {  	v18 =	vshll.u32 v18, $0x7;
	v21 =	vshll.u32 v21, $0x7;
	v13 =	vshll.u32 v13, $0x7  }
0x198: {  	v27 =	vand.u32 $0x1C00, v27;
	v14 =	vand.u32 $0x1C00, v14;
	v15 =	vand.u32 $0x1C00, v15  }
0x199: {  	v16 =	vand.u32 $0x1C00, v16;
	v17 =	vand.u32 $0x1C00, v17;
	v18 =	vand.u32 $0x1C00, v18  }
0x19a: {  	v21 =	vand.u32 $0x1C00, v21;
	v13 =	vand.u32 $0x1C00, v13;
	v26 =	vor.u32 v27, v26  }
0x19b: {  	v14 =	vor.u32 v14, v19;
	v15 =	vor.u32 v15, v20;
	v16 =	vor.u32 v16, v22;
	v19 =	vld.idx.msk [tilespmem:v28+s20+$0x0], $0xffff  }
0x19c: {  	v17 =	vor.u32 v17, v23;
	v18 =	vor.u32 v18, v24;
	v26 =	vor.u32 v10, v26;
	v22 =	vld.idx.msk [tilespmem:v30+s20+$0x0], $0xffff  }
0x19d: {  	s23 =	simm.s32 $0x9;
	v21 =	vor.u32 v21, v25;
	v15 =	vor.u32 v10, v15;
	v24 =	vor.u32 v10, v16;
	v23 =	vld.idx.msk [tilespmem:v31+s20+$0x0], $0xffff  }
0x19e: {  	v17 =	vor.u32 v10, v17;
	v16 =	vor.u32 v10, v21;
	v21 =	vadd.s32 s23, v0;
	s23 =	simm.s32 $0xC;
	v31 =	vld.idx.msk [tilespmem:v32+s20+$0x0], $0xffff  }
0x19f: {  	v13 =	vor.u32 v13, v11;
	v14 =	vor.u32 v10, v14;
	v63 =	vadd.s32 s23, v0  }
0x1a0: {  	s26 =	simm.s32 $0xA;
	s4 =	simm.s32 $0x8;
	v37 =	vshll.u32 v21, $0x7;
	v21 =	vand.u32 $0xF, v21;
	v20 =	vld.idx.msk [tilespmem:v29+s20+$0x0], $0xffff;
	v30 =	vor.u32 v10, v18  }
0x1a1: {  	v18 =	vadd.s32 s4, v0;
	v62 =	vld.idx.msk [tilespmem:v33+s20+$0x0], $0xffff;
	v29 =	vadd.s32 s26, v0;
	s26 =	simm.s32 $0xD;
	v28 =	vshll.u32 v63, $0x7;
	[tilespmem:v26+s19+$0x0] =	vst.idx.msk $0xffff, v19  }
0x1a2: {  	s18 =	simm.s32 $0xB;
	v18 =	vand.u32 $0xF, v18;
	v36 =	vadd.s32 s26, v0;
	s26 =	simm.s32 $0xE;
	v38 =	vshll.u32 v29, $0x7;
	[tilespmem:v15+s19+$0x0] =	vst.idx.msk $0xffff, v22;
	v19 =	vld.idx.msk [tilespmem:v35+s20+$0x0], $0xffff  }
0x1a3: {  	v39 =	vadd.s32 s26, v0;
	v25 =	vshll.u32 v36, $0x7;
	v26 =	vadd.s32 s18, v0;
	[tilespmem:v17+s19+$0x0] =	vst.idx.msk $0xffff, v31;
	v17 =	vld.idx.msk [tilespmem:v34+s20+$0x0], $0xffff  }
0x1a4: {  	v22 =	vand.u32 $0xF, v29;
	v29 =	vshll.u32 v39, $0x7;
	[tilespmem:v24+s19+$0x0] =	vst.idx.msk $0xffff, v23;
	v24 =	vand.u32 $0xF, v63  }
0x1a5: {  	[tilespmem:v14+s19+$0x0] =	vst.idx.msk $0xffff, v20;
	v20 =	vand.u32 $0xF, v36;
	v15 =	vand.u32 $0x380, v37;
	v14 =	vand.u32 $0x380, v38  }
0x1a6: {  	s14 =	simm.s32 $0x10;
	s18 =	simm.s32 $0xF;
	[tilespmem:v30+s19+$0x0] =	vst.idx.msk $0xffff, v62;
	v27 =	vshll.u32 v26, $0x7;
	v23 =	vand.u32 $0xF, v26;
	v26 =	vand.u32 $0xF, v39  }
.LBB2_18:
0x1a7: {  	p1 =	slt.u32 s14, $0x38;
	v27 =	vand.u32 $0x380, v27;
	v28 =	vand.u32 $0x380, v28;
	v30 =	vadd.s32 s18, v0;
	[tilespmem:v16+s19+$0x0] =	vst.idx.msk $0xffff, v19  }
0x1a8: {  	s18 =	sand.u32 $0x30, s4;
	v16 =	vand.u32 $0x380, v25;
	v25 =	vand.u32 $0x380, v29;
	s4 =	smov.u32 s14;
	v19 =	vand.u32 $0xF, v30;
	[tilespmem:v13+s19+$0x0] =	vst.idx.msk $0xffff, v17  }
0x1a9: {  	v13 =	vor.u32 s18, v21;
	v17 =	vor.u32 s18, v22;
	v19 =	vor.u32 s18, v19  }
0x1aa: {  	v21 =	vor.u32 s18, v23;
	v22 =	vor.u32 s18, v24;
	v23 =	vor.u32 v19, v12  }
0x1ab: {  	v18 =	vor.u32 s18, v18;
	v20 =	vor.u32 s18, v20;
	v24 =	vor.u32 s18, v26  }
0x1ac: {  	v26 =	vor.u32 v13, v12;
	v29 =	vor.u32 v17, v12;
	v31 =	vor.u32 v21, v12  }
0x1ad: {  	v30 =	vshll.u32 v30, $0x7;
	v32 =	vor.u32 v22, v12;
	v19 =	vshll.u32 v19, $0x7  }
0x1ae: {  	v33 =	vor.u32 v20, v12;
	v30 =	vand.u32 $0x380, v30;
	v19 =	vand.u32 $0x1C00, v19  }
0x1af: {  	v34 =	vor.u32 v18, v12;
	v35 =	vor.u32 v24, v12;
	v19 =	vor.u32 v19, v30;
	v23 =	vld.idx.msk [tilespmem:v23+s20+$0x0], $0xffff  }
0x1b0: {  	v13 =	vshll.u32 v13, $0x7;
	v17 =	vshll.u32 v17, $0x7;
	v19 =	vor.u32 v10, v19  }
0x1b1: {  	v21 =	vshll.u32 v21, $0x7;
	v22 =	vshll.u32 v22, $0x7;
	v20 =	vshll.u32 v20, $0x7;
	v26 =	vld.idx.msk [tilespmem:v26+s20+$0x0], $0xffff  }
0x1b2: {  	v24 =	vshll.u32 v24, $0x7;
	v13 =	vand.u32 $0x1C00, v13;
	v17 =	vand.u32 $0x1C00, v17;
	v29 =	vld.idx.msk [tilespmem:v29+s20+$0x0], $0xffff  }
0x1b3: {  	v21 =	vand.u32 $0x1C00, v21;
	v22 =	vand.u32 $0x1C00, v22;
	v20 =	vand.u32 $0x1C00, v20;
	v30 =	vld.idx.msk [tilespmem:v31+s20+$0x0], $0xffff  }
0x1b4: {  	v18 =	vshll.u32 v18, $0x7;
	v24 =	vand.u32 $0x1C00, v24;
	v13 =	vor.u32 v13, v15;
	v15 =	vld.idx.msk [tilespmem:v32+s20+$0x0], $0xffff  }
0x1b5: {  	v14 =	vor.u32 v17, v14;
	v21 =	vor.u32 v21, v27;
	v31 =	vld.idx.msk [tilespmem:v33+s20+$0x0], $0xffff;
	[tilespmem:v19+s19+$0x0] =	vst.idx.msk $0xffff, v23  }
0x1b6: {  	v22 =	vor.u32 v22, v28;
	v16 =	vor.u32 v20, v16;
	v20 =	vor.u32 v24, v25;
	v19 =	vld.idx.msk [tilespmem:v35+s20+$0x0], $0xffff  }
0x1b7: {  	v18 =	vand.u32 $0x1C00, v18;
	v14 =	vor.u32 v10, v14;
	v23 =	vor.u32 v10, v13;
	v17 =	vld.idx.msk [tilespmem:v34+s20+$0x0], $0xffff  }
0x1b8: {  	v24 =	vor.u32 v10, v21;
	v32 =	vor.u32 v10, v22;
	v33 =	vor.u32 v10, v16  }
0x1b9: {  	s23 =	sadd.s32 $0x2, s14;
	s18 =	sadd.s32 $0x1, s14;
	v21 =	vadd.s32 s14, v0;
	v13 =	vor.u32 v18, v11;
	v16 =	vor.u32 v10, v20  }
0x1ba: {  	s26 =	sadd.s32 $0x5, s14;
	v22 =	vadd.s32 s23, v0;
	s23 =	sadd.s32 $0x4, s14;
	v18 =	vand.u32 $0xF, v21;
	v20 =	vadd.s32 s18, v0;
	s18 =	sadd.s32 $0x3, s14  }
0x1bb: {  	v36 =	vadd.s32 s26, v0;
	v35 =	vadd.s32 s23, v0;
	v34 =	vadd.s32 s18, v0;
	s18 =	sadd.s32 $0x6, s14  }
.Ltmp9:
0x1bc: {  	v38 =	vshll.u32 v22, $0x7;
	v37 =	vshll.u32 v20, $0x7;
	v39 =	vadd.s32 s18, v0;
	[tilespmem:v23+s19+$0x0] =	vst.idx.msk $0xffff, v26;
	(pc) =	sbr.rel @p1 .LBB2_18-.Ltmp9, $4  }
0x1bd: {  	v25 =	vshll.u32 v36, $0x7;
	v28 =	vshll.u32 v35, $0x7;
	v27 =	vshll.u32 v34, $0x7;
	[tilespmem:v14+s19+$0x0] =	vst.idx.msk $0xffff, v29  }
0x1be: {  	v22 =	vand.u32 $0xF, v22;
	v21 =	vand.u32 $0xF, v20;
	v29 =	vshll.u32 v39, $0x7;
	[tilespmem:v24+s19+$0x0] =	vst.idx.msk $0xffff, v30  }
0x1bf: {  	v20 =	vand.u32 $0xF, v36;
	v23 =	vand.u32 $0xF, v34;
	v24 =	vand.u32 $0xF, v35;
	[tilespmem:v32+s19+$0x0] =	vst.idx.msk $0xffff, v15  }
0x1c0: {  	s14 =	sadd.s32 $0x8, s14;
	s18 =	sadd.s32 $0x7, s4;
	v26 =	vand.u32 $0xF, v39;
	v14 =	vand.u32 $0x380, v38;
	v15 =	vand.u32 $0x380, v37;
	[tilespmem:v33+s19+$0x0] =	vst.idx.msk $0xffff, v31  }
0x1c1: {  	v27 =	vand.u32 $0x380, v27  }
0x1c2: {  	v28 =	vand.u32 $0x380, v28;
	v30 =	vadd.s32 s18, v0;
	s4 =	sand.u32 $0x30, s4;
	v25 =	vand.u32 $0x380, v25  }
0x1c3: {  	v29 =	vand.u32 $0x380, v29;
	v31 =	vand.u32 $0xF, v30;
	v21 =	vor.u32 s4, v21  }
0x1c4: {  	v22 =	vor.u32 s4, v22;
	v23 =	vor.u32 s4, v23;
	v24 =	vor.u32 s4, v24  }
0x1c5: {  	v18 =	vor.u32 s4, v18;
	v20 =	vor.u32 s4, v20;
	v26 =	vor.u32 s4, v26  }
0x1c6: {  	v30 =	vshll.u32 v30, $0x7;
	v31 =	vor.u32 s4, v31;
	v33 =	vor.u32 v21, v12  }
0x1c7: {  	v34 =	vor.u32 v22, v12;
	v35 =	vor.u32 v23, v12;
	v36 =	vor.u32 v24, v12  }
0x1c8: {  	v30 =	vand.u32 $0x380, v30;
	v37 =	vor.u32 v20, v12;
	v47 =	vor.u32 v18, v12  }
0x1c9: {  	v48 =	vor.u32 v26, v12;
	v21 =	vshll.u32 v21, $0x7;
	v22 =	vshll.u32 v22, $0x7  }
0x1ca: {  	v23 =	vshll.u32 v23, $0x7;
	v24 =	vshll.u32 v24, $0x7;
	v49 =	vshll.u32 v20, $0x7  }
0x1cb: {  	v53 =	vshll.u32 v26, $0x7;
	v18 =	vshll.u32 v18, $0x7;
	v32 =	vor.u32 v31, v12  }
0x1cc: {  	[tilespmem:v16+s19+$0x0] =	vst.idx.msk $0xffff, v19;
	v31 =	vshll.u32 v31, $0x7;
	v50 =	vand.u32 $0x1C00, v21;
	v51 =	vand.u32 $0x1C00, v22  }
0x1cd: {  	[tilespmem:v13+s19+$0x0] =	vst.idx.msk $0xffff, v17;
	v54 =	vand.u32 $0x1C00, v23;
	v56 =	vand.u32 $0x1C00, v24;
	v15 =	vor.u32 v50, v15  }
0x1ce: {  	v16 =	vand.u32 $0x1C00, v49;
	v14 =	vor.u32 v51, v14;
	v15 =	vor.u32 v10, v15;
	v55 =	vld.idx.msk [tilespmem:v33+s20+$0x0], $0xffff  }
0x1cf: {  	v17 =	vand.u32 $0x1C00, v53;
	v21 =	vor.u32 v54, v27;
	v14 =	vor.u32 v10, v14;
	v57 =	vld.idx.msk [tilespmem:v34+s20+$0x0], $0xffff  }
0x1d0: {  	v62 =	vand.u32 $0x1C00, v18;
	v22 =	vor.u32 v56, v28;
	v21 =	vor.u32 v10, v21;
	v58 =	vld.idx.msk [tilespmem:v35+s20+$0x0], $0xffff  }
0x1d1: {  	v31 =	vand.u32 $0x1C00, v31;
	v16 =	vor.u32 v16, v25;
	v22 =	vor.u32 v10, v22;
	v59 =	vld.idx.msk [tilespmem:v36+s20+$0x0], $0xffff  }
0x1d2: {  	v61 =	vor.u32 v17, v29;
	v30 =	vor.u32 v31, v30;
	v16 =	vor.u32 v10, v16;
	v60 =	vld.idx.msk [tilespmem:v37+s20+$0x0], $0xffff  }
0x1d3: {  	v30 =	vor.u32 v10, v30;
	v10 =	vor.u32 v10, v61;
	v12 =	vld.idx.msk [tilespmem:v48+s20+$0x0], $0xffff;
	[tilespmem:v15+s19+$0x0] =	vst.idx.msk $0xffff, v55  }
0x1d4: {  	s11 =	sadd.s32 $0x1, s11;
	v11 =	vor.u32 v62, v11;
	v63 =	vld.idx.msk [tilespmem:v47+s20+$0x0], $0xffff;
	[tilespmem:v14+s19+$0x0] =	vst.idx.msk $0xffff, v57  }
0x1d5: {  	p1 =	sne.s32 s11, $0x8;
	v52 =	vld.idx.msk [tilespmem:v32+s20+$0x0], $0xffff;
	[tilespmem:v21+s19+$0x0] =	vst.idx.msk $0xffff, v58  }
.Ltmp10:
0x1d6: {  	[tilespmem:v22+s19+$0x0] =	vst.idx.msk $0xffff, v59;
	(pc) =	sbr.rel @p1 .LBB2_17-.Ltmp10, $4  }
0x1d7: {  	[tilespmem:v16+s19+$0x0] =	vst.idx.msk $0xffff, v60  }
0x1d8: {  	[tilespmem:v10+s19+$0x0] =	vst.idx.msk $0xffff, v12  }
0x1d9: {  	[tilespmem:v11+s19+$0x0] =	vst.idx.msk $0xffff, v63  }
0x1da: {  	[tilespmem:v30+s19+$0x0] =	vst.idx.msk $0xffff, v52  }
0x1db: {  	s2 =	sshll.u32 s2, $0x11;
	s4 =	sor.u32 s12, s15;
	s11 =	rddreg [dreg:$0x3]  }
0x1dc: {  	s4 =	sshll.u32 s4, $0x7;
	s15 =	sadd.s32 s11, s2  }
0x1dd: {  	p1 =	seq.s32 s13, $0x27;
	s2 =	sadd.s32 s4, s15  }
0x1de: {  	[hbm4b:s2+s3] =	stream.strided.scatter [tilespmem:s19], [sflag:$0x7], $0x2000, s16, s3, $0x38;
	[tilespmem:$0x1F100] =	vst v63  }
0x1df: {  	s2 =	sadd.s32 @!p1 $0x2, s8  }
0x1e0: {  	_ =	swait.ge [sflag:s21], $0x4000;
	s4 =	sshll.u32 @!p1 s2, $0xA;
	s8 =	sshll.u32 @!p1 s2, $0x7  }
0x1e1: {  	s2 =	sshll.u32 @!p1 s2, $0x5;
	s4 =	sand.u32 @!p1 $0x800, s4;
	s8 =	sand.u32 @!p1 $0x7000, s8  }
0x1e2: {  	[sflag:s21] =	ssyncset.done $0x0;
	s2 =	sand.u32 @!p1 $0x380, s2;
	s4 =	sor.u32 @!p1 s4, s8  }
0x1e3: {  	[sflag:s21] =	ssyncadd.s32 $0xFFFFC000;
	s2 =	sor.u32 @!p1 s2, s4  }
0x1e4: {  	v9 =	vld @!p1 [tilespmem:s2+$0x10000];
	_ =	sdelay $0x4  }
0x1e5: {  	v9 =	vshra.s32 @!p1 v9, $0x1  }
0x1e6: {  	[tilespmem:$0x13000] =	vst @!p1 v9  }
0x1e7: {  	v9 =	vld @!p1 [tilespmem:s2+$0x10010];
	_ =	sdelay $0x4  }
0x1e8: {  	v9 =	vshra.s32 @!p1 v9, $0x1  }
0x1e9: {  	[tilespmem:$0x13010] =	vst @!p1 v9  }
0x1ea: {  	v9 =	vld @!p1 [tilespmem:s2+$0x10020];
	_ =	sdelay $0x4  }
0x1eb: {  	v9 =	vshra.s32 @!p1 v9, $0x1  }
0x1ec: {  	[tilespmem:$0x13020] =	vst @!p1 v9  }
0x1ed: {  	v9 =	vld @!p1 [tilespmem:s2+$0x10030];
	_ =	sdelay $0x4  }
0x1ee: {  	v9 =	vshra.s32 @!p1 v9, $0x1  }
0x1ef: {  	[tilespmem:$0x13030] =	vst @!p1 v9  }
0x1f0: {  	v9 =	vld @!p1 [tilespmem:s2+$0x10040];
	_ =	sdelay $0x4  }
0x1f1: {  	v9 =	vshra.s32 @!p1 v9, $0x1  }
0x1f2: {  	[tilespmem:$0x13040] =	vst @!p1 v9  }
0x1f3: {  	v9 =	vld @!p1 [tilespmem:s2+$0x10050];
	_ =	sdelay $0x4  }
0x1f4: {  	v9 =	vshra.s32 @!p1 v9, $0x1  }
0x1f5: {  	[tilespmem:$0x13050] =	vst @!p1 v9  }
0x1f6: {  	v9 =	vld @!p1 [tilespmem:s2+$0x10060];
	_ =	sdelay $0x4  }
0x1f7: {  	v9 =	vshra.s32 @!p1 v9, $0x1  }
0x1f8: {  	[tilespmem:$0x13060] =	vst @!p1 v9  }
0x1f9: {  	v9 =	vld @!p1 [tilespmem:s2+$0x10070];
	_ =	sdelay $0x4  }
0x1fa: {  	v9 =	vshra.s32 @!p1 v9, $0x1  }
0x1fb: {  	s8 =	simm.s32 @!p1 $0x13100;
	s4 =	simm.s32 @!p1 $0x13000;
	s2 =	simm.s32 @!p1 $0x80;
	[tilespmem:$0x13070] =	vst @!p1 v9  }
0x1fc: {  	[tilespmem:s8], [sflag:$0x5] =	stream.indirect.gather @!p1 [hbm4b:s5+s2], $0x80, s4, s2, $0xb8;
	[tilespmem:$0x1F100] =	vst v63  }
0x1fd: {  	p2 =	seq.s32 @!p1 s13, $0x0;
	s8 =	sand.u32 $0x3, s25  }
0x1fe: {  	p1 =	por p1, !p2;
	s26 =	sshll.u32 s8, $0xA  }
0x1ff: {  	_ =	swait.ge @p1 [sflag:s10], $0x2000;
	s2 =	sadd.s32 s26, s30  }
0x200: {  	[sflag:s10] =	ssyncset.done @p1 $0x0;
	s31 =	sadd.s32 s31, s2  }
0x201: {  	s11 =	simm.s32 $0x0;
	[sflag:s10] =	ssyncadd.s32 @p1 $0xFFFFE000;
	s2 =	simm.s32 $0x0;
	v9 =	vmov s31  }
.LBB2_21:
0x202: {  	v13 =	vadd.s32 s2, v0;
	s14 =	simm.s32 $0x1  }
0x203: {  	s25 =	simm.s32 $0x2;
	s26 =	simm.s32 $0x3;
	s18 =	simm.s32 $0x4;
	v13 =	vand.u32 $0xF, v13;
	v14 =	vadd.s32 s14, v0  }
0x204: {  	s30 =	simm.s32 $0x5;
	s31 =	simm.s32 $0x6;
	v15 =	vadd.s32 s25, v0;
	v16 =	vadd.s32 s26, v0;
	v17 =	vadd.s32 s18, v0  }
0x205: {  	v18 =	vadd.s32 s30, v0;
	v21 =	vadd.s32 s31, v0;
	v19 =	vshll.u32 v14, $0x7  }
0x206: {  	v20 =	vshll.u32 v15, $0x7;
	v22 =	vshll.u32 v16, $0x7;
	v23 =	vshll.u32 v17, $0x7  }
0x207: {  	v24 =	vshll.u32 v18, $0x7;
	v14 =	vand.u32 $0xF, v14;
	v15 =	vand.u32 $0xF, v15  }
0x208: {  	s4 =	sshll.u32 s11, $0x4;
	s14 =	simm.s32 $0x7;
	v25 =	vshll.u32 v21, $0x7;
	v16 =	vand.u32 $0xF, v16;
	v17 =	vand.u32 $0xF, v17  }
0x209: {  	s18 =	sand.u32 $0x30, s2;
	s30 =	simm.s32 $0xC;
	s31 =	simm.s32 $0xE;
	v18 =	vand.u32 $0xF, v18;
	v21 =	vand.u32 $0xF, v21;
	v26 =	vadd.s32 s14, v0  }
0x20a: {  	v10 =	vld.idx.msk [tilespmem:v9+s4+$0x0 ss:$0x1], $0xffff;
	v13 =	vor.u32 s18, v13;
	v63 =	vadd.s32 s30, v0;
	v39 =	vadd.s32 s31, v0  }
0x20b: {  	v19 =	vand.u32 $0x380, v19;
	v20 =	vand.u32 $0x380, v20;
	v22 =	vand.u32 $0x380, v22  }
0x20c: {  	v23 =	vand.u32 $0x380, v23;
	v24 =	vand.u32 $0x380, v24;
	v25 =	vand.u32 $0x380, v25  }
0x20d: {  	v27 =	vand.u32 $0xF, v26;
	v14 =	vor.u32 s18, v14;
	v15 =	vor.u32 s18, v15  }
0x20e: {  	v16 =	vor.u32 s18, v16;
	v17 =	vor.u32 s18, v17;
	v18 =	vor.u32 s18, v18  }
0x20f: {  	v21 =	vor.u32 s18, v21;
	v11 =	vshll.u32 v10, $0x6;
	v10 =	vor.u32 s4, v0  }
0x210: {  	v26 =	vshll.u32 v26, $0x7;
	v11 =	vand.u32 $0x40, v11;
	v12 =	vshll.u32 v10, $0x7  }
0x211: {  	v27 =	vor.u32 s18, v27;
	v26 =	vand.u32 $0x380, v26;
	v12 =	vor.u32 v12, v11  }
0x212: {  	v11 =	vor.u32 s4, v8;
	v28 =	vor.u32 v27, v12;
	v29 =	vor.u32 v14, v12  }
0x213: {  	v30 =	vor.u32 v15, v12;
	v31 =	vor.u32 v16, v12;
	v32 =	vor.u32 v17, v12  }
0x214: {  	v27 =	vshll.u32 v27, $0x7;
	v33 =	vor.u32 v18, v12;
	v34 =	vor.u32 v13, v12  }
0x215: {  	v35 =	vor.u32 v21, v12;
	v14 =	vshll.u32 v14, $0x7;
	v15 =	vshll.u32 v15, $0x7  }
0x216: {  	v16 =	vshll.u32 v16, $0x7;
	v17 =	vshll.u32 v17, $0x7;
	v18 =	vshll.u32 v18, $0x7  }
0x217: {  	v21 =	vshll.u32 v21, $0x7;
	v13 =	vshll.u32 v13, $0x7;
	v27 =	vand.u32 $0x1C00, v27  }
0x218: {  	v14 =	vand.u32 $0x1C00, v14;
	v15 =	vand.u32 $0x1C00, v15;
	v16 =	vand.u32 $0x1C00, v16  }
0x219: {  	v17 =	vand.u32 $0x1C00, v17;
	v18 =	vand.u32 $0x1C00, v18;
	v21 =	vand.u32 $0x1C00, v21  }
0x21a: {  	v13 =	vand.u32 $0x1C00, v13;
	v26 =	vor.u32 v27, v26;
	v14 =	vor.u32 v14, v19;
	v19 =	vld.idx.msk [tilespmem:v28+s17+$0x0], $0xffff  }
0x21b: {  	v15 =	vor.u32 v15, v20;
	v16 =	vor.u32 v16, v22;
	v26 =	vor.u32 v10, v26;
	v22 =	vld.idx.msk [tilespmem:v30+s17+$0x0], $0xffff  }
0x21c: {  	v17 =	vor.u32 v17, v23;
	v18 =	vor.u32 v18, v24;
	v15 =	vor.u32 v10, v15;
	v23 =	vld.idx.msk [tilespmem:v31+s17+$0x0], $0xffff  }
0x21d: {  	s23 =	simm.s32 $0x9;
	v21 =	vor.u32 v21, v25;
	v13 =	vor.u32 v13, v11;
	v17 =	vor.u32 v10, v17;
	v31 =	vld.idx.msk [tilespmem:v32+s17+$0x0], $0xffff  }
0x21e: {  	v24 =	vor.u32 v10, v16;
	v16 =	vor.u32 v10, v21;
	v21 =	vadd.s32 s23, v0;
	s23 =	simm.s32 $0xD  }
0x21f: {  	s4 =	simm.s32 $0x8;
	v14 =	vor.u32 v10, v14;
	v36 =	vadd.s32 s23, v0;
	v37 =	vshll.u32 v21, $0x7;
	v20 =	vld.idx.msk [tilespmem:v29+s17+$0x0], $0xffff  }
0x220: {  	s25 =	simm.s32 $0xA;
	v21 =	vand.u32 $0xF, v21;
	v30 =	vor.u32 v10, v18;
	v18 =	vadd.s32 s4, v0;
	v62 =	vld.idx.msk [tilespmem:v33+s17+$0x0], $0xffff;
	[tilespmem:v26+s0+$0x0] =	vst.idx.msk $0xffff, v19  }
0x221: {  	s26 =	simm.s32 $0xB;
	v29 =	vadd.s32 s25, v0;
	v28 =	vshll.u32 v63, $0x7;
	v25 =	vshll.u32 v36, $0x7;
	[tilespmem:v15+s0+$0x0] =	vst.idx.msk $0xffff, v22;
	v19 =	vld.idx.msk [tilespmem:v35+s17+$0x0], $0xffff  }
0x222: {  	v18 =	vand.u32 $0xF, v18;
	v38 =	vshll.u32 v29, $0x7;
	v26 =	vadd.s32 s26, v0;
	[tilespmem:v17+s0+$0x0] =	vst.idx.msk $0xffff, v31;
	v17 =	vld.idx.msk [tilespmem:v34+s17+$0x0], $0xffff  }
0x223: {  	v22 =	vand.u32 $0xF, v29;
	v29 =	vshll.u32 v39, $0x7;
	[tilespmem:v24+s0+$0x0] =	vst.idx.msk $0xffff, v23;
	v24 =	vand.u32 $0xF, v63  }
0x224: {  	[tilespmem:v14+s0+$0x0] =	vst.idx.msk $0xffff, v20;
	v20 =	vand.u32 $0xF, v36;
	v15 =	vand.u32 $0x380, v37;
	v14 =	vand.u32 $0x380, v38  }
0x225: {  	s14 =	simm.s32 $0x10;
	s18 =	simm.s32 $0xF;
	[tilespmem:v30+s0+$0x0] =	vst.idx.msk $0xffff, v62;
	v27 =	vshll.u32 v26, $0x7;
	v23 =	vand.u32 $0xF, v26;
	v26 =	vand.u32 $0xF, v39  }
.LBB2_22:
0x226: {  	p1 =	slt.u32 s14, $0x38;
	v27 =	vand.u32 $0x380, v27;
	v28 =	vand.u32 $0x380, v28;
	v30 =	vadd.s32 s18, v0;
	[tilespmem:v16+s0+$0x0] =	vst.idx.msk $0xffff, v19  }
0x227: {  	s18 =	sand.u32 $0x30, s4;
	v16 =	vand.u32 $0x380, v25;
	v25 =	vand.u32 $0x380, v29;
	s4 =	smov.u32 s14;
	v19 =	vand.u32 $0xF, v30;
	[tilespmem:v13+s0+$0x0] =	vst.idx.msk $0xffff, v17  }
0x228: {  	v13 =	vor.u32 s18, v21;
	v17 =	vor.u32 s18, v22;
	v19 =	vor.u32 s18, v19  }
0x229: {  	v21 =	vor.u32 s18, v23;
	v22 =	vor.u32 s18, v24;
	v23 =	vor.u32 v19, v12  }
0x22a: {  	v18 =	vor.u32 s18, v18;
	v20 =	vor.u32 s18, v20;
	v24 =	vor.u32 s18, v26  }
0x22b: {  	v26 =	vor.u32 v13, v12;
	v29 =	vor.u32 v17, v12;
	v31 =	vor.u32 v21, v12  }
0x22c: {  	v30 =	vshll.u32 v30, $0x7;
	v32 =	vor.u32 v22, v12;
	v19 =	vshll.u32 v19, $0x7  }
0x22d: {  	v33 =	vor.u32 v20, v12;
	v30 =	vand.u32 $0x380, v30;
	v19 =	vand.u32 $0x1C00, v19  }
0x22e: {  	v34 =	vor.u32 v18, v12;
	v35 =	vor.u32 v24, v12;
	v19 =	vor.u32 v19, v30;
	v23 =	vld.idx.msk [tilespmem:v23+s17+$0x0], $0xffff  }
0x22f: {  	v13 =	vshll.u32 v13, $0x7;
	v17 =	vshll.u32 v17, $0x7;
	v19 =	vor.u32 v10, v19  }
0x230: {  	v21 =	vshll.u32 v21, $0x7;
	v22 =	vshll.u32 v22, $0x7;
	v20 =	vshll.u32 v20, $0x7;
	v26 =	vld.idx.msk [tilespmem:v26+s17+$0x0], $0xffff  }
0x231: {  	v24 =	vshll.u32 v24, $0x7;
	v13 =	vand.u32 $0x1C00, v13;
	v17 =	vand.u32 $0x1C00, v17;
	v29 =	vld.idx.msk [tilespmem:v29+s17+$0x0], $0xffff  }
0x232: {  	v21 =	vand.u32 $0x1C00, v21;
	v22 =	vand.u32 $0x1C00, v22;
	v20 =	vand.u32 $0x1C00, v20;
	v30 =	vld.idx.msk [tilespmem:v31+s17+$0x0], $0xffff  }
0x233: {  	v18 =	vshll.u32 v18, $0x7;
	v24 =	vand.u32 $0x1C00, v24;
	v13 =	vor.u32 v13, v15;
	v15 =	vld.idx.msk [tilespmem:v32+s17+$0x0], $0xffff  }
0x234: {  	v14 =	vor.u32 v17, v14;
	v21 =	vor.u32 v21, v27;
	v31 =	vld.idx.msk [tilespmem:v33+s17+$0x0], $0xffff;
	[tilespmem:v19+s0+$0x0] =	vst.idx.msk $0xffff, v23  }
0x235: {  	v22 =	vor.u32 v22, v28;
	v16 =	vor.u32 v20, v16;
	v20 =	vor.u32 v24, v25;
	v19 =	vld.idx.msk [tilespmem:v35+s17+$0x0], $0xffff  }
0x236: {  	v18 =	vand.u32 $0x1C00, v18;
	v14 =	vor.u32 v10, v14;
	v23 =	vor.u32 v10, v13;
	v17 =	vld.idx.msk [tilespmem:v34+s17+$0x0], $0xffff  }
0x237: {  	v24 =	vor.u32 v10, v21;
	v32 =	vor.u32 v10, v22;
	v33 =	vor.u32 v10, v16  }
0x238: {  	s23 =	sadd.s32 $0x2, s14;
	s18 =	sadd.s32 $0x1, s14;
	v21 =	vadd.s32 s14, v0;
	v13 =	vor.u32 v18, v11;
	v16 =	vor.u32 v10, v20  }
0x239: {  	s25 =	sadd.s32 $0x5, s14;
	v22 =	vadd.s32 s23, v0;
	s23 =	sadd.s32 $0x4, s14;
	v18 =	vand.u32 $0xF, v21;
	v20 =	vadd.s32 s18, v0;
	s18 =	sadd.s32 $0x3, s14  }
0x23a: {  	v36 =	vadd.s32 s25, v0;
	v35 =	vadd.s32 s23, v0;
	v34 =	vadd.s32 s18, v0;
	s18 =	sadd.s32 $0x6, s14  }
.Ltmp11:
0x23b: {  	v38 =	vshll.u32 v22, $0x7;
	v37 =	vshll.u32 v20, $0x7;
	v39 =	vadd.s32 s18, v0;
	[tilespmem:v23+s0+$0x0] =	vst.idx.msk $0xffff, v26;
	(pc) =	sbr.rel @p1 .LBB2_22-.Ltmp11, $4  }
0x23c: {  	v25 =	vshll.u32 v36, $0x7;
	v28 =	vshll.u32 v35, $0x7;
	v27 =	vshll.u32 v34, $0x7;
	[tilespmem:v14+s0+$0x0] =	vst.idx.msk $0xffff, v29  }
0x23d: {  	v22 =	vand.u32 $0xF, v22;
	v21 =	vand.u32 $0xF, v20;
	v29 =	vshll.u32 v39, $0x7;
	[tilespmem:v24+s0+$0x0] =	vst.idx.msk $0xffff, v30  }
0x23e: {  	v20 =	vand.u32 $0xF, v36;
	v23 =	vand.u32 $0xF, v34;
	v24 =	vand.u32 $0xF, v35;
	[tilespmem:v32+s0+$0x0] =	vst.idx.msk $0xffff, v15  }
0x23f: {  	s14 =	sadd.s32 $0x8, s14;
	s18 =	sadd.s32 $0x7, s4;
	v26 =	vand.u32 $0xF, v39;
	v14 =	vand.u32 $0x380, v38;
	v15 =	vand.u32 $0x380, v37;
	[tilespmem:v33+s0+$0x0] =	vst.idx.msk $0xffff, v31  }
0x240: {  	v27 =	vand.u32 $0x380, v27  }
0x241: {  	v28 =	vand.u32 $0x380, v28;
	v30 =	vadd.s32 s18, v0;
	s4 =	sand.u32 $0x30, s4;
	v25 =	vand.u32 $0x380, v25  }
0x242: {  	v29 =	vand.u32 $0x380, v29;
	v31 =	vand.u32 $0xF, v30;
	v21 =	vor.u32 s4, v21  }
0x243: {  	v22 =	vor.u32 s4, v22;
	v23 =	vor.u32 s4, v23;
	v24 =	vor.u32 s4, v24  }
0x244: {  	v18 =	vor.u32 s4, v18;
	v20 =	vor.u32 s4, v20;
	v26 =	vor.u32 s4, v26  }
0x245: {  	v30 =	vshll.u32 v30, $0x7;
	v31 =	vor.u32 s4, v31;
	v33 =	vor.u32 v21, v12  }
0x246: {  	v34 =	vor.u32 v22, v12;
	v35 =	vor.u32 v23, v12;
	v36 =	vor.u32 v24, v12  }
0x247: {  	v30 =	vand.u32 $0x380, v30;
	v37 =	vor.u32 v20, v12;
	v47 =	vor.u32 v18, v12  }
0x248: {  	v48 =	vor.u32 v26, v12;
	v21 =	vshll.u32 v21, $0x7;
	v22 =	vshll.u32 v22, $0x7  }
0x249: {  	v23 =	vshll.u32 v23, $0x7;
	v24 =	vshll.u32 v24, $0x7;
	v49 =	vshll.u32 v20, $0x7  }
0x24a: {  	v53 =	vshll.u32 v26, $0x7;
	v18 =	vshll.u32 v18, $0x7;
	v32 =	vor.u32 v31, v12  }
0x24b: {  	[tilespmem:v16+s0+$0x0] =	vst.idx.msk $0xffff, v19;
	v31 =	vshll.u32 v31, $0x7;
	v50 =	vand.u32 $0x1C00, v21;
	v51 =	vand.u32 $0x1C00, v22  }
0x24c: {  	[tilespmem:v13+s0+$0x0] =	vst.idx.msk $0xffff, v17;
	v54 =	vand.u32 $0x1C00, v23;
	v56 =	vand.u32 $0x1C00, v24;
	v15 =	vor.u32 v50, v15  }
0x24d: {  	v16 =	vand.u32 $0x1C00, v49;
	v14 =	vor.u32 v51, v14;
	v15 =	vor.u32 v10, v15;
	v55 =	vld.idx.msk [tilespmem:v33+s17+$0x0], $0xffff  }
0x24e: {  	v17 =	vand.u32 $0x1C00, v53;
	v21 =	vor.u32 v54, v27;
	v14 =	vor.u32 v10, v14;
	v57 =	vld.idx.msk [tilespmem:v34+s17+$0x0], $0xffff  }
0x24f: {  	v62 =	vand.u32 $0x1C00, v18;
	v22 =	vor.u32 v56, v28;
	v21 =	vor.u32 v10, v21;
	v58 =	vld.idx.msk [tilespmem:v35+s17+$0x0], $0xffff  }
0x250: {  	v31 =	vand.u32 $0x1C00, v31;
	v16 =	vor.u32 v16, v25;
	v22 =	vor.u32 v10, v22;
	v59 =	vld.idx.msk [tilespmem:v36+s17+$0x0], $0xffff  }
0x251: {  	v61 =	vor.u32 v17, v29;
	v30 =	vor.u32 v31, v30;
	v16 =	vor.u32 v10, v16;
	v60 =	vld.idx.msk [tilespmem:v37+s17+$0x0], $0xffff  }
0x252: {  	v30 =	vor.u32 v10, v30;
	v10 =	vor.u32 v10, v61;
	v12 =	vld.idx.msk [tilespmem:v48+s17+$0x0], $0xffff;
	[tilespmem:v15+s0+$0x0] =	vst.idx.msk $0xffff, v55  }
0x253: {  	s11 =	sadd.s32 $0x1, s11;
	v11 =	vor.u32 v62, v11;
	v63 =	vld.idx.msk [tilespmem:v47+s17+$0x0], $0xffff;
	[tilespmem:v14+s0+$0x0] =	vst.idx.msk $0xffff, v57  }
0x254: {  	p1 =	sne.s32 s11, $0x8;
	v52 =	vld.idx.msk [tilespmem:v32+s17+$0x0], $0xffff;
	[tilespmem:v21+s0+$0x0] =	vst.idx.msk $0xffff, v58  }
.Ltmp12:
0x255: {  	[tilespmem:v22+s0+$0x0] =	vst.idx.msk $0xffff, v59;
	(pc) =	sbr.rel @p1 .LBB2_21-.Ltmp12, $4  }
0x256: {  	[tilespmem:v16+s0+$0x0] =	vst.idx.msk $0xffff, v60  }
0x257: {  	[tilespmem:v10+s0+$0x0] =	vst.idx.msk $0xffff, v12  }
0x258: {  	[tilespmem:v11+s0+$0x0] =	vst.idx.msk $0xffff, v63  }
0x259: {  	[tilespmem:v30+s0+$0x0] =	vst.idx.msk $0xffff, v52  }
0x25a: {  	s13 =	sadd.s32 $0x1, s13  }
0x25b: {  	p1 =	sne.s32 s13, $0x28  }
.Ltmp13:
0x25c: {  	_ = 	snop;
	(pc) =	sbr.rel @p1 .LBB2_16-.Ltmp13, $4  }
0x25d: {  	s2 =	sor.u32 s12, s8  }
0x25e: {  	s2 =	sshll.u32 s2, $0x7  }
0x25f: {  	s2 =	sadd.s32 s2, s15  }
0x260: {  	[hbm4b:s2+s3] =	stream.strided.scatter [tilespmem:s0], [sflag:$0x8], $0x2000, s16, s3, $0x38;
	[tilespmem:$0x1F100] =	vst v63  }
0x261: {  	s2 =	simm.s32 $0x7  }
0x262: {  	_ =	swait.ge [sflag:s2], $0x2000  }
0x263: {  	[sflag:s2] =	ssyncset.done $0x0  }
0x264: {  	[sflag:s2] =	ssyncadd.s32 $0xFFFFE000  }
0x265: {  	_ =	swait.ge [sflag:s10], $0x2000  }
0x266: {  	s4 =	rddreg [dreg:$0x12]  }
0x267: {  	s31 =	rddreg [dreg:$0x9];
	s4 =	sadd.s32 $0x1, s4  }
0x268: {  	p1 =	sne.s32 s4, s31  }
.Ltmp14:
0x269: {  	_ = 	snop;
	(pc) =	sbr.rel @p1 .LBB2_1-.Ltmp14, $3  }
0x26a: {  	_ =	sdelay $0x1  }
0x26b: {  	[sflag:s10] =	ssyncset.done $0x0  }
0x26c: {  	s15 =	simm.s32 $0x1;
	s18 =	simm.s32 $0x2;
	[sflag:s10] =	ssyncadd.s32 $0xFFFFE000  }
0x26d: {  	_ =	sfence.sel $0x180000  }
0x26e: {  	[bflag:$0x0] =	sbarrier.arrive $0xFFFF  }
0x26f: {  	_ =	strace $0x90000047  }
0x270: {  	s0 =	stileid.u32;
	[bflag:$0x2] =	sbarrier.arrive $0xFFFF  }
0x271: {  	p0 =	sne.s32 s0, $0x0;
	s0 =	rddreg [dreg:$0x5]  }
0x272: {  	s0 =	sadd.s32 @!p0 $0x100000, s0  }
0x273: {  	[sflag:s0] =	ssyncadd.tile.s32 @!p0 $0x1;
	_ =	shalt  }
.Lfunc_end2:
_tile_overlayer_lowered:
.L_overlay_start_2:
0x274: {  	(tag) =	ssettag $0x2  }
0x275: {  	s0 =	rddreg [dreg:$0x0];
	s2 =	stileid.u32  }
0x276: {  	s1 =	rddreg [dreg:$0x1];
	p0 =	sne.s32 s2, $0x0  }
0x277: {  	s3 =	rddreg [dreg:$0x2];
	[bflag:$0x3] =	sbarrier.arrive $0xFFFF;
	s2 =	simm.s32 @!p0 $0x1C0A  }
0x278: {  	[timem:s3], [sflag:s2] =	dma.local @!p0 [hbm:s0], s1  }
0x279: {  	s0 =	simm.s32 @!p0 $0xA  }
0x27a: {  	_ =	swait.ge @!p0 [sflag:s0], s1  }
0x27b: {  	s1 =	ssub.s32 @!p0 $0x0, s1;
	[sflag:s0] =	ssyncset.done @!p0 $0x0  }
0x27c: {  	[sflag:s0] =	ssyncadd.s32 @!p0 s1  }
0x27d: {  	[bflag:$0x3] =	sbarrier.arrive $0xFFFF  }
0x27e: {  	_ =	shalt  }

</sc_bundles>
